<compile_context>
chip_gen: v7x
topology: tpu7x:2x2x1
jax: 0.10.2.dev20260603
libtpu: 0.0.44.dev20260713+nightly
codegen_flags: <defaults>
</compile_context>

<pallas_src>
import functools

import jax
import jax.numpy as jnp
from jax import lax
from jax.experimental import pallas as pl
from jax.experimental.pallas import tpu as pltpu
from jax.experimental.pallas import tpu_sc as plsc

_VOCAB = 1000000
_DIM = 64
_UNITS = 256
_BATCH = 1024
_SEQ = 50

_NC = 2
_NS = 16
_NW = _NC * _NS
_CHUNK = 80
_NCHUNK = (_BATCH * _SEQ) // (_NW * _CHUNK)


def _sc_gather(table2, idx3):
    mesh = plsc.VectorSubcoreMesh(core_axis_name="c", subcore_axis_name="s")

    @functools.partial(
        pl.kernel,
        mesh=mesh,
        compiler_params=pltpu.CompilerParams(use_tc_tiling_on_sc=False),
        out_type=jax.ShapeDtypeStruct((_NW, _NCHUNK, _CHUNK, 128), jnp.float32),
        scratch_types=[
            pltpu.VMEM((_NCHUNK, _CHUNK), jnp.int32),
            pltpu.VMEM((_NCHUNK // 4, _CHUNK, 128), jnp.float32),
            pltpu.VMEM((_NCHUNK // 4, _CHUNK, 128), jnp.float32),
            pltpu.SemaphoreType.DMA,
            pltpu.SemaphoreType.DMA,
        ],
    )
    def gather_kernel(table_hbm, idx_hbm, out_hbm, idx_v, rows_a, rows_b, sem_g, sem_s):
        wid = lax.axis_index("s") * _NC + lax.axis_index("c")
        pltpu.sync_copy(idx_hbm.at[wid], idx_v)
        bufs = (rows_a, rows_b)
        n_pass = 4
        k = _NCHUNK // n_pass
        stores = [None, None]
        for p in range(n_pass):
            buf = bufs[p % 2]
            if stores[p % 2] is not None:
                stores[p % 2].wait()
            gathers = [
                pltpu.async_copy(
                    table_hbm.at[idx_v.at[p * k + j]], buf.at[j], sem_g
                )
                for j in range(k)
            ]
            for g in gathers:
                g.wait()
            stores[p % 2] = pltpu.async_copy(
                buf, out_hbm.at[wid, pl.ds(p * k, k)], sem_s
            )
        for st in stores:
            if st is not None:
                st.wait()

    return gather_kernel(table2, idx3)


_TCOLS = 16384


_TGRID = (_VOCAB + _TCOLS - 1) // _TCOLS
_NPAIR = _TGRID * (_TCOLS // 2)


def _pack_step(in_ref, out_ref):
    t = in_ref[...]
    h = _TCOLS // 2
    out_ref[:, :_DIM] = t[:, :h].T
    out_ref[:, _DIM:] = t[:, h:].T


def _tc_pack_pairs(tabT):
    return pl.pallas_call(
        _pack_step,
        grid=(_TGRID,),
        in_specs=[pl.BlockSpec((_DIM, _TCOLS), lambda i: (0, i))],
        out_specs=pl.BlockSpec((_TCOLS // 2, 128), lambda i: (i, 0)),
        out_shape=jax.ShapeDtypeStruct((_NPAIR, 128), jnp.float32),
    )(tabT)


def _gru_step(pair_ref, par_ref, w_ref, u_ref, b_ref, h_ref):
    t = pl.program_id(0)

    @pl.when(t == 0)
    def _():
        h_ref[...] = jnp.zeros_like(h_ref)

    h = h_ref[...]
    pair = pair_ref[0]
    parity = par_ref[0]
    xt = jnp.where(parity > 0, pair[:, _DIM:], pair[:, :_DIM])
    bb = b_ref[...]
    xp = jnp.dot(xt, w_ref[...], preferred_element_type=jnp.float32) + bb[0:1]
    rp = jnp.dot(h, u_ref[...], preferred_element_type=jnp.float32) + bb[1:2]
    xz = xp[:, :_UNITS]
    xr = xp[:, _UNITS:2 * _UNITS]
    xh = xp[:, 2 * _UNITS:]
    rz = rp[:, :_UNITS]
    rr = rp[:, _UNITS:2 * _UNITS]
    rh = rp[:, 2 * _UNITS:]
    z = jax.nn.sigmoid(xz + rz)
    r = jax.nn.sigmoid(xr + rr)
    hh = jnp.tanh(xh + r * rh)
    h_ref[...] = z * h + (1.0 - z) * hh


def _tc_gru(pairs, parity, W, U, b):
    return pl.pallas_call(
        _gru_step,
        grid=(_SEQ,),
        in_specs=[
            pl.BlockSpec((1, _BATCH, 128), lambda t: (t, 0, 0)),
            pl.BlockSpec((1, _BATCH, 1), lambda t: (t, 0, 0)),
            pl.BlockSpec((_DIM, 3 * _UNITS), lambda t: (0, 0)),
            pl.BlockSpec((_UNITS, 3 * _UNITS), lambda t: (0, 0)),
            pl.BlockSpec((2, 3 * _UNITS), lambda t: (0, 0)),
        ],
        out_specs=pl.BlockSpec((_BATCH, _UNITS), lambda t: (0, 0)),
        out_shape=jax.ShapeDtypeStruct((_BATCH, _UNITS), jnp.float32),
    )(pairs, parity, W, U, b)


def kernel(x, emb_table, W, U, b):
    table2 = _tc_pack_pairs(jnp.transpose(emb_table))
    idx = jnp.transpose(x).reshape(_NW, _NCHUNK, _CHUNK)
    h = _TCOLS // 2
    pair = (idx // _TCOLS) * h + (idx % _TCOLS) % h
    half = (idx % _TCOLS) // h
    rows = _sc_gather(table2, pair)
    pairs = rows.reshape(_SEQ, _BATCH, 2 * _DIM)
    parity = half.reshape(_SEQ, _BATCH, 1)
    return _tc_gru(pairs, parity, W, U, b)

# --- scband reference (transcript-rebuilt; emitter-appended) ---
"""Pipeline reference for scband-encoder-45724221833353 (READ-ONLY COPY).

The authoritative reference and input builder live on the scoring server;
editing this copy changes nothing except your own understanding.
"""

import jax, jax.numpy as jnp
import numpy as np

VOCAB = 1000000
DIM = 64
UNITS = 256
BATCH = 1024
SEQ = 50


def setup_inputs(seed: int = 0) -> dict:
    key = jax.random.key(seed)
    k1, k2, k3, k4, k5 = jax.random.split(key, 5)
    x = jax.random.randint(k1, (BATCH, SEQ), 0, VOCAB, dtype=jnp.int32)
    # learned parameters
    emb_table = jax.random.normal(k2, (VOCAB, DIM), dtype=jnp.float32) * 0.02
    # Keras GRU (reset_after=True) parameters: kernel, recurrent kernel, bias(2, 3U)
    W = jax.random.normal(k3, (DIM, 3 * UNITS), dtype=jnp.float32) * (1.0 / np.sqrt(DIM))
    U = jax.random.normal(k4, (UNITS, 3 * UNITS), dtype=jnp.float32) * (1.0 / np.sqrt(UNITS))
    b = jnp.zeros((2, 3 * UNITS), dtype=jnp.float32)
    return {"x": x, "emb_table": emb_table, "W": W, "U": U, "b": b}


def _gru(emb, W, U, b):
    # emb: [B, S, D] -> scan over time; Keras GRU v2 semantics (reset_after=True)
    B = emb.shape[0]
    h0 = jnp.zeros((B, UNITS), dtype=emb.dtype)

    def step(h, xt):
        xp = xt @ W + b[0]          # input projections + input bias
        rp = h @ U + b[1]           # recurrent projections + recurrent bias
        xz, xr, xh = jnp.split(xp, 3, axis=-1)
        rz, rr, rh = jnp.split(rp, 3, axis=-1)
        z = jax.nn.sigmoid(xz + rz)
        r = jax.nn.sigmoid(xr + rr)
        hh = jnp.tanh(xh + r * rh)
        h_new = z * h + (1.0 - z) * hh
        return h_new, None

    h_final, _ = jax.lax.scan(step, h0, jnp.swapaxes(emb, 0, 1))
    return h_final


def reference(x, emb_table, W, U, b):
    emb = jnp.take(emb_table, x, axis=0)  # [B, S, D] embedding lookup (gather)
    out = _gru(emb, W, U, b)              # [B, UNITS] last output only
    return out

if __name__ == "__main__":
    import jax
    _d = setup_inputs()
    print(jax.jit(kernel)(*tuple(_d.values())))

</pallas_src>

<mosaic_0001>
#map = affine_map<(d0, d1) -> (0, 0)>
#map1 = affine_map<(d0, d1) -> (0, 0, 0)>
#map2 = affine_map<(d0, d1) -> (0, 0, 0, 0)>
module attributes {stable_mosaic.version = 14 : i64} {
  func.func @gather_kernel(%arg0: i32, %arg1: i32, %arg2: memref<507904x128xf32, #tpu.memory_space<hbm>>, %arg3: memref<32x20x80xi32, #tpu.memory_space<hbm>>, %arg4: memref<32x20x80x128xf32, #tpu.memory_space<hbm>>, %arg5: memref<20x80xi32, #tpu.memory_space<vmem>>, %arg6: memref<5x80x128xf32, #tpu.memory_space<vmem>>, %arg7: memref<5x80x128xf32, #tpu.memory_space<vmem>>, %arg8: memref<!tpu.dma_semaphore, #tpu.memory_space<semaphore_mem>>, %arg9: memref<!tpu.dma_semaphore, #tpu.memory_space<semaphore_mem>>) attributes {dimension_semantics = [#tpu.dimension_semantics<core_parallel>, #tpu.dimension_semantics<subcore_parallel>], iteration_bounds = array<i64: 2, 16>, scalar_prefetch = 0 : i64, scratch_operands = 5 : i64, tpu.core_type = #tpu.core_type<sc_vector_subcore>, window_params = [{transform_indices = #map}, {transform_indices = #map1}, {transform_indices = #map2}]} {
    %mul3A = arith.constant 2 : i32
    %mul3A_0 = arith.muli %arg1, %mul3A : i32
    %add3A = arith.addi %mul3A_0, %arg0 : i32
    "tpu.region"() ({
      %run_scoped3A = tpu.sem_alloc : memref<!tpu.dma_semaphore, #tpu.memory_space<semaphore_mem>>
      %dma_start3A_559 = arith.constant 0 : i32
      %dma_start3A_560 = arith.constant 0 : i32
      %dma_start3A_561 = tpu.memref_slice %arg3[%add3A, %dma_start3A_559, %dma_start3A_560] : memref<32x20x80xi32, #tpu.memory_space<hbm>> -> memref<1x20x80xi32, #tpu.memory_space<hbm>>
      %dma_start3A_562 = tpu.memref_squeeze %dma_start3A_561 : memref<1x20x80xi32, #tpu.memory_space<hbm>> -> memref<20x80xi32, #tpu.memory_space<hbm>>
      %dma_start3A_563 = arith.constant 0 : i32
      %dma_start3A_564 = arith.constant 0 : i32
      %dma_start3A_565 = tpu.memref_slice %arg3[%add3A, %dma_start3A_563, %dma_start3A_564] : memref<32x20x80xi32, #tpu.memory_space<hbm>> -> memref<1x20x80xi32, #tpu.memory_space<hbm>>
      %dma_start3A_566 = tpu.memref_squeeze %dma_start3A_565 : memref<1x20x80xi32, #tpu.memory_space<hbm>> -> memref<20x80xi32, #tpu.memory_space<hbm>>
      tpu.enqueue_dma source(%dma_start3A_566 : memref<20x80xi32, #tpu.memory_space<hbm>>) target(%arg5 : memref<20x80xi32, #tpu.memory_space<vmem>>) target_semaphore(%run_scoped3A : memref<!tpu.dma_semaphore, #tpu.memory_space<semaphore_mem>>)
      %dma_wait3A_567 = arith.constant 0 : i32
      %dma_wait3A_568 = arith.constant 0 : i32
      %dma_wait3A_569 = tpu.memref_slice %arg3[%add3A, %dma_wait3A_567, %dma_wait3A_568] : memref<32x20x80xi32, #tpu.memory_space<hbm>> -> memref<1x20x80xi32, #tpu.memory_space<hbm>>
      %dma_wait3A_570 = tpu.memref_squeeze %dma_wait3A_569 : memref<1x20x80xi32, #tpu.memory_space<hbm>> -> memref<20x80xi32, #tpu.memory_space<hbm>>
      %dma_wait3A_571 = arith.constant 0 : i32
      %dma_wait3A_572 = arith.constant 0 : i32
      %dma_wait3A_573 = tpu.memref_slice %arg3[%add3A, %dma_wait3A_571, %dma_wait3A_572] : memref<32x20x80xi32, #tpu.memory_space<hbm>> -> memref<1x20x80xi32, #tpu.memory_space<hbm>>
      %dma_wait3A_574 = tpu.memref_squeeze %dma_wait3A_573 : memref<1x20x80xi32, #tpu.memory_space<hbm>> -> memref<20x80xi32, #tpu.memory_space<hbm>>
      tpu.wait_dma2 semaphore(%run_scoped3A : memref<!tpu.dma_semaphore, #tpu.memory_space<semaphore_mem>>) src(%dma_wait3A_574 : memref<20x80xi32, #tpu.memory_space<hbm>>) dst(%arg5 : memref<20x80xi32, #tpu.memory_space<vmem>>)
      tpu.yield
    }) : () -> ()
    %dma_start3A = arith.constant 0 : i32
    %dma_start3A_1 = arith.constant 0 : i32
    %dma_start3A_2 = arith.constant 0 : i32
    %dma_start3A_3 = arith.constant 0 : i32
    %dma_start3A_4 = tpu.memref_slice %arg6[%dma_start3A_1, %dma_start3A_2, %dma_start3A_3] : memref<5x80x128xf32, #tpu.memory_space<vmem>> -> memref<1x80x128xf32, #tpu.memory_space<vmem>>
    %dma_start3A_5 = tpu.memref_squeeze %dma_start3A_4 : memref<1x80x128xf32, #tpu.memory_space<vmem>> -> memref<80x128xf32, #tpu.memory_space<vmem>>
    %dma_start3A_6 = arith.constant 0 : i32
    %dma_start3A_7 = tpu.memref_slice %arg5[%dma_start3A, %dma_start3A_6] : memref<20x80xi32, #tpu.memory_space<vmem>> -> memref<1x80xi32, #tpu.memory_space<vmem>>
    %dma_start3A_8 = tpu.memref_squeeze %dma_start3A_7 : memref<1x80xi32, #tpu.memory_space<vmem>> -> memref<80xi32, #tpu.memory_space<vmem>>
    %dma_start3A_9 = arith.constant 0 : i32
    %dma_start3A_10 = arith.constant 0 : i32
    %dma_start3A_11 = tpu.memref_slice %arg2[%dma_start3A_9, %dma_start3A_10] : memref<507904x128xf32, #tpu.memory_space<hbm>> -> memref<507904x128xf32, #tpu.memory_space<hbm>>
    tpu.enqueue_indirect_dma source(%dma_start3A_11 : memref<507904x128xf32, #tpu.memory_space<hbm>>) target(%dma_start3A_5 : memref<80x128xf32, #tpu.memory_space<vmem>>) offsets(%dma_start3A_8 : memref<80xi32, #tpu.memory_space<vmem>>) semaphore(%arg8 : memref<!tpu.dma_semaphore, #tpu.memory_space<semaphore_mem>>)
    %dma_start3A_12 = arith.constant 1 : i32
    %dma_start3A_13 = arith.constant 1 : i32
    %dma_start3A_14 = arith.constant 0 : i32
    %dma_start3A_15 = arith.constant 0 : i32
    %dma_start3A_16 = tpu.memref_slice %arg6[%dma_start3A_13, %dma_start3A_14, %dma_start3A_15] : memref<5x80x128xf32, #tpu.memory_space<vmem>> -> memref<1x80x128xf32, #tpu.memory_space<vmem>>
    %dma_start3A_17 = tpu.memref_squeeze %dma_start3A_16 : memref<1x80x128xf32, #tpu.memory_space<vmem>> -> memref<80x128xf32, #tpu.memory_space<vmem>>
    %dma_start3A_18 = arith.constant 0 : i32
    %dma_start3A_19 = tpu.memref_slice %arg5[%dma_start3A_12, %dma_start3A_18] : memref<20x80xi32, #tpu.memory_space<vmem>> -> memref<1x80xi32, #tpu.memory_space<vmem>>
    %dma_start3A_20 = tpu.memref_squeeze %dma_start3A_19 : memref<1x80xi32, #tpu.memory_space<vmem>> -> memref<80xi32, #tpu.memory_space<vmem>>
    %dma_start3A_21 = arith.constant 0 : i32
    %dma_start3A_22 = arith.constant 0 : i32
    %dma_start3A_23 = tpu.memref_slice %arg2[%dma_start3A_21, %dma_start3A_22] : memref<507904x128xf32, #tpu.memory_space<hbm>> -> memref<507904x128xf32, #tpu.memory_space<hbm>>
    tpu.enqueue_indirect_dma source(%dma_start3A_23 : memref<507904x128xf32, #tpu.memory_space<hbm>>) target(%dma_start3A_17 : memref<80x128xf32, #tpu.memory_space<vmem>>) offsets(%dma_start3A_20 : memref<80xi32, #tpu.memory_space<vmem>>) semaphore(%arg8 : memref<!tpu.dma_semaphore, #tpu.memory_space<semaphore_mem>>)
    %dma_start3A_24 = arith.constant 2 : i32
    %dma_start3A_25 = arith.constant 2 : i32
    %dma_start3A_26 = arith.constant 0 : i32
    %dma_start3A_27 = arith.constant 0 : i32
    %dma_start3A_28 = tpu.memref_slice %arg6[%dma_start3A_25, %dma_start3A_26, %dma_start3A_27] : memref<5x80x128xf32, #tpu.memory_space<vmem>> -> memref<1x80x128xf32, #tpu.memory_space<vmem>>
    %dma_start3A_29 = tpu.memref_squeeze %dma_start3A_28 : memref<1x80x128xf32, #tpu.memory_space<vmem>> -> memref<80x128xf32, #tpu.memory_space<vmem>>
    %dma_start3A_30 = arith.constant 0 : i32
    %dma_start3A_31 = tpu.memref_slice %arg5[%dma_start3A_24, %dma_start3A_30] : memref<20x80xi32, #tpu.memory_space<vmem>> -> memref<1x80xi32, #tpu.memory_space<vmem>>
    %dma_start3A_32 = tpu.memref_squeeze %dma_start3A_31 : memref<1x80xi32, #tpu.memory_space<vmem>> -> memref<80xi32, #tpu.memory_space<vmem>>
    %dma_start3A_33 = arith.constant 0 : i32
    %dma_start3A_34 = arith.constant 0 : i32
    %dma_start3A_35 = tpu.memref_slice %arg2[%dma_start3A_33, %dma_start3A_34] : memref<507904x128xf32, #tpu.memory_space<hbm>> -> memref<507904x128xf32, #tpu.memory_space<hbm>>
    tpu.enqueue_indirect_dma source(%dma_start3A_35 : memref<507904x128xf32, #tpu.memory_space<hbm>>) target(%dma_start3A_29 : memref<80x128xf32, #tpu.memory_space<vmem>>) offsets(%dma_start3A_32 : memref<80xi32, #tpu.memory_space<vmem>>) semaphore(%arg8 : memref<!tpu.dma_semaphore, #tpu.memory_space<semaphore_mem>>)
    %dma_start3A_36 = arith.constant 3 : i32
    %dma_start3A_37 = arith.constant 3 : i32
    %dma_start3A_38 = arith.constant 0 : i32
    %dma_start3A_39 = arith.constant 0 : i32
    %dma_start3A_40 = tpu.memref_slice %arg6[%dma_start3A_37, %dma_start3A_38, %dma_start3A_39] : memref<5x80x128xf32, #tpu.memory_space<vmem>> -> memref<1x80x128xf32, #tpu.memory_space<vmem>>
    %dma_start3A_41 = tpu.memref_squeeze %dma_start3A_40 : memref<1x80x128xf32, #tpu.memory_space<vmem>> -> memref<80x128xf32, #tpu.memory_space<vmem>>
    %dma_start3A_42 = arith.constant 0 : i32
    %dma_start3A_43 = tpu.memref_slice %arg5[%dma_start3A_36, %dma_start3A_42] : memref<20x80xi32, #tpu.memory_space<vmem>> -> memref<1x80xi32, #tpu.memory_space<vmem>>
    %dma_start3A_44 = tpu.memref_squeeze %dma_start3A_43 : memref<1x80xi32, #tpu.memory_space<vmem>> -> memref<80xi32, #tpu.memory_space<vmem>>
    %dma_start3A_45 = arith.constant 0 : i32
    %dma_start3A_46 = arith.constant 0 : i32
    %dma_start3A_47 = tpu.memref_slice %arg2[%dma_start3A_45, %dma_start3A_46] : memref<507904x128xf32, #tpu.memory_space<hbm>> -> memref<507904x128xf32, #tpu.memory_space<hbm>>
    tpu.enqueue_indirect_dma source(%dma_start3A_47 : memref<507904x128xf32, #tpu.memory_space<hbm>>) target(%dma_start3A_41 : memref<80x128xf32, #tpu.memory_space<vmem>>) offsets(%dma_start3A_44 : memref<80xi32, #tpu.memory_space<vmem>>) semaphore(%arg8 : memref<!tpu.dma_semaphore, #tpu.memory_space<semaphore_mem>>)
    %dma_start3A_48 = arith.constant 4 : i32
    %dma_start3A_49 = arith.constant 4 : i32
    %dma_start3A_50 = arith.constant 0 : i32
    %dma_start3A_51 = arith.constant 0 : i32
    %dma_start3A_52 = tpu.memref_slice %arg6[%dma_start3A_49, %dma_start3A_50, %dma_start3A_51] : memref<5x80x128xf32, #tpu.memory_space<vmem>> -> memref<1x80x128xf32, #tpu.memory_space<vmem>>
    %dma_start3A_53 = tpu.memref_squeeze %dma_start3A_52 : memref<1x80x128xf32, #tpu.memory_space<vmem>> -> memref<80x128xf32, #tpu.memory_space<vmem>>
    %dma_start3A_54 = arith.constant 0 : i32
    %dma_start3A_55 = tpu.memref_slice %arg5[%dma_start3A_48, %dma_start3A_54] : memref<20x80xi32, #tpu.memory_space<vmem>> -> memref<1x80xi32, #tpu.memory_space<vmem>>
    %dma_start3A_56 = tpu.memref_squeeze %dma_start3A_55 : memref<1x80xi32, #tpu.memory_space<vmem>> -> memref<80xi32, #tpu.memory_space<vmem>>
    %dma_start3A_57 = arith.constant 0 : i32
    %dma_start3A_58 = arith.constant 0 : i32
    %dma_start3A_59 = tpu.memref_slice %arg2[%dma_start3A_57, %dma_start3A_58] : memref<507904x128xf32, #tpu.memory_space<hbm>> -> memref<507904x128xf32, #tpu.memory_space<hbm>>
    tpu.enqueue_indirect_dma source(%dma_start3A_59 : memref<507904x128xf32, #tpu.memory_space<hbm>>) target(%dma_start3A_53 : memref<80x128xf32, #tpu.memory_space<vmem>>) offsets(%dma_start3A_56 : memref<80xi32, #tpu.memory_space<vmem>>) semaphore(%arg8 : memref<!tpu.dma_semaphore, #tpu.memory_space<semaphore_mem>>)
    %dma_wait3A = arith.constant 0 : i32
    %dma_wait3A_60 = arith.constant 0 : i32
    %dma_wait3A_61 = arith.constant 0 : i32
    %dma_wait3A_62 = arith.constant 0 : i32
    %dma_wait3A_63 = tpu.memref_slice %arg6[%dma_wait3A_60, %dma_wait3A_61, %dma_wait3A_62] : memref<5x80x128xf32, #tpu.memory_space<vmem>> -> memref<1x80x128xf32, #tpu.memory_space<vmem>>
    %dma_wait3A_64 = tpu.memref_squeeze %dma_wait3A_63 : memref<1x80x128xf32, #tpu.memory_space<vmem>> -> memref<80x128xf32, #tpu.memory_space<vmem>>
    %dma_wait3A_65 = arith.constant 0 : i32
    %dma_wait3A_66 = tpu.memref_slice %arg5[%dma_wait3A, %dma_wait3A_65] : memref<20x80xi32, #tpu.memory_space<vmem>> -> memref<1x80xi32, #tpu.memory_space<vmem>>
    %dma_wait3A_67 = tpu.memref_squeeze %dma_wait3A_66 : memref<1x80xi32, #tpu.memory_space<vmem>> -> memref<80xi32, #tpu.memory_space<vmem>>
    %dma_wait3A_68 = arith.constant 0 : i32
    %dma_wait3A_69 = arith.constant 0 : i32
    %dma_wait3A_70 = tpu.memref_slice %arg2[%dma_wait3A_68, %dma_wait3A_69] : memref<507904x128xf32, #tpu.memory_space<hbm>> -> memref<507904x128xf32, #tpu.memory_space<hbm>>
    tpu.wait_indirect_dma semaphore(%arg8 : memref<!tpu.dma_semaphore, #tpu.memory_space<semaphore_mem>>) src(%dma_wait3A_70 : memref<507904x128xf32, #tpu.memory_space<hbm>>) dst(%dma_wait3A_64 : memref<80x128xf32, #tpu.memory_space<vmem>>)
    %dma_wait3A_71 = arith.constant 1 : i32
    %dma_wait3A_72 = arith.constant 1 : i32
    %dma_wait3A_73 = arith.constant 0 : i32
    %dma_wait3A_74 = arith.constant 0 : i32
    %dma_wait3A_75 = tpu.memref_slice %arg6[%dma_wait3A_72, %dma_wait3A_73, %dma_wait3A_74] : memref<5x80x128xf32, #tpu.memory_space<vmem>> -> memref<1x80x128xf32, #tpu.memory_space<vmem>>
    %dma_wait3A_76 = tpu.memref_squeeze %dma_wait3A_75 : memref<1x80x128xf32, #tpu.memory_space<vmem>> -> memref<80x128xf32, #tpu.memory_space<vmem>>
    %dma_wait3A_77 = arith.constant 0 : i32
    %dma_wait3A_78 = tpu.memref_slice %arg5[%dma_wait3A_71, %dma_wait3A_77] : memref<20x80xi32, #tpu.memory_space<vmem>> -> memref<1x80xi32, #tpu.memory_space<vmem>>
    %dma_wait3A_79 = tpu.memref_squeeze %dma_wait3A_78 : memref<1x80xi32, #tpu.memory_space<vmem>> -> memref<80xi32, #tpu.memory_space<vmem>>
    %dma_wait3A_80 = arith.constant 0 : i32
    %dma_wait3A_81 = arith.constant 0 : i32
    %dma_wait3A_82 = tpu.memref_slice %arg2[%dma_wait3A_80, %dma_wait3A_81] : memref<507904x128xf32, #tpu.memory_space<hbm>> -> memref<507904x128xf32, #tpu.memory_space<hbm>>
    tpu.wait_indirect_dma semaphore(%arg8 : memref<!tpu.dma_semaphore, #tpu.memory_space<semaphore_mem>>) src(%dma_wait3A_82 : memref<507904x128xf32, #tpu.memory_space<hbm>>) dst(%dma_wait3A_76 : memref<80x128xf32, #tpu.memory_space<vmem>>)
    %dma_wait3A_83 = arith.constant 2 : i32
    %dma_wait3A_84 = arith.constant 2 : i32
    %dma_wait3A_85 = arith.constant 0 : i32
    %dma_wait3A_86 = arith.constant 0 : i32
    %dma_wait3A_87 = tpu.memref_slice %arg6[%dma_wait3A_84, %dma_wait3A_85, %dma_wait3A_86] : memref<5x80x128xf32, #tpu.memory_space<vmem>> -> memref<1x80x128xf32, #tpu.memory_space<vmem>>
    %dma_wait3A_88 = tpu.memref_squeeze %dma_wait3A_87 : memref<1x80x128xf32, #tpu.memory_space<vmem>> -> memref<80x128xf32, #tpu.memory_space<vmem>>
    %dma_wait3A_89 = arith.constant 0 : i32
    %dma_wait3A_90 = tpu.memref_slice %arg5[%dma_wait3A_83, %dma_wait3A_89] : memref<20x80xi32, #tpu.memory_space<vmem>> -> memref<1x80xi32, #tpu.memory_space<vmem>>
    %dma_wait3A_91 = tpu.memref_squeeze %dma_wait3A_90 : memref<1x80xi32, #tpu.memory_space<vmem>> -> memref<80xi32, #tpu.memory_space<vmem>>
    %dma_wait3A_92 = arith.constant 0 : i32
    %dma_wait3A_93 = arith.constant 0 : i32
    %dma_wait3A_94 = tpu.memref_slice %arg2[%dma_wait3A_92, %dma_wait3A_93] : memref<507904x128xf32, #tpu.memory_space<hbm>> -> memref<507904x128xf32, #tpu.memory_space<hbm>>
    tpu.wait_indirect_dma semaphore(%arg8 : memref<!tpu.dma_semaphore, #tpu.memory_space<semaphore_mem>>) src(%dma_wait3A_94 : memref<507904x128xf32, #tpu.memory_space<hbm>>) dst(%dma_wait3A_88 : memref<80x128xf32, #tpu.memory_space<vmem>>)
    %dma_wait3A_95 = arith.constant 3 : i32
    %dma_wait3A_96 = arith.constant 3 : i32
    %dma_wait3A_97 = arith.constant 0 : i32
    %dma_wait3A_98 = arith.constant 0 : i32
    %dma_wait3A_99 = tpu.memref_slice %arg6[%dma_wait3A_96, %dma_wait3A_97, %dma_wait3A_98] : memref<5x80x128xf32, #tpu.memory_space<vmem>> -> memref<1x80x128xf32, #tpu.memory_space<vmem>>
    %dma_wait3A_100 = tpu.memref_squeeze %dma_wait3A_99 : memref<1x80x128xf32, #tpu.memory_space<vmem>> -> memref<80x128xf32, #tpu.memory_space<vmem>>
    %dma_wait3A_101 = arith.constant 0 : i32
    %dma_wait3A_102 = tpu.memref_slice %arg5[%dma_wait3A_95, %dma_wait3A_101] : memref<20x80xi32, #tpu.memory_space<vmem>> -> memref<1x80xi32, #tpu.memory_space<vmem>>
    %dma_wait3A_103 = tpu.memref_squeeze %dma_wait3A_102 : memref<1x80xi32, #tpu.memory_space<vmem>> -> memref<80xi32, #tpu.memory_space<vmem>>
    %dma_wait3A_104 = arith.constant 0 : i32
    %dma_wait3A_105 = arith.constant 0 : i32
    %dma_wait3A_106 = tpu.memref_slice %arg2[%dma_wait3A_104, %dma_wait3A_105] : memref<507904x128xf32, #tpu.memory_space<hbm>> -> memref<507904x128xf32, #tpu.memory_space<hbm>>
    tpu.wait_indirect_dma semaphore(%arg8 : memref<!tpu.dma_semaphore, #tpu.memory_space<semaphore_mem>>) src(%dma_wait3A_106 : memref<507904x128xf32, #tpu.memory_space<hbm>>) dst(%dma_wait3A_100 : memref<80x128xf32, #tpu.memory_space<vmem>>)
    %dma_wait3A_107 = arith.constant 4 : i32
    %dma_wait3A_108 = arith.constant 4 : i32
    %dma_wait3A_109 = arith.constant 0 : i32
    %dma_wait3A_110 = arith.constant 0 : i32
    %dma_wait3A_111 = tpu.memref_slice %arg6[%dma_wait3A_108, %dma_wait3A_109, %dma_wait3A_110] : memref<5x80x128xf32, #tpu.memory_space<vmem>> -> memref<1x80x128xf32, #tpu.memory_space<vmem>>
    %dma_wait3A_112 = tpu.memref_squeeze %dma_wait3A_111 : memref<1x80x128xf32, #tpu.memory_space<vmem>> -> memref<80x128xf32, #tpu.memory_space<vmem>>
    %dma_wait3A_113 = arith.constant 0 : i32
    %dma_wait3A_114 = tpu.memref_slice %arg5[%dma_wait3A_107, %dma_wait3A_113] : memref<20x80xi32, #tpu.memory_space<vmem>> -> memref<1x80xi32, #tpu.memory_space<vmem>>
    %dma_wait3A_115 = tpu.memref_squeeze %dma_wait3A_114 : memref<1x80xi32, #tpu.memory_space<vmem>> -> memref<80xi32, #tpu.memory_space<vmem>>
    %dma_wait3A_116 = arith.constant 0 : i32
    %dma_wait3A_117 = arith.constant 0 : i32
    %dma_wait3A_118 = tpu.memref_slice %arg2[%dma_wait3A_116, %dma_wait3A_117] : memref<507904x128xf32, #tpu.memory_space<hbm>> -> memref<507904x128xf32, #tpu.memory_space<hbm>>
    tpu.wait_indirect_dma semaphore(%arg8 : memref<!tpu.dma_semaphore, #tpu.memory_space<semaphore_mem>>) src(%dma_wait3A_118 : memref<507904x128xf32, #tpu.memory_space<hbm>>) dst(%dma_wait3A_112 : memref<80x128xf32, #tpu.memory_space<vmem>>)
    %dma_start3A_119 = arith.constant 0 : i32
    %dma_start3A_120 = arith.constant 0 : i32
    %dma_start3A_121 = arith.constant 0 : i32
    %dma_start3A_122 = tpu.memref_slice %arg4[%add3A, %dma_start3A_119, %dma_start3A_120, %dma_start3A_121] : memref<32x20x80x128xf32, #tpu.memory_space<hbm>> -> memref<1x5x80x128xf32, #tpu.memory_space<hbm>>
    %dma_start3A_123 = tpu.memref_squeeze %dma_start3A_122 : memref<1x5x80x128xf32, #tpu.memory_space<hbm>> -> memref<5x80x128xf32, #tpu.memory_space<hbm>>
    %dma_start3A_124 = arith.constant 0 : i32
    %dma_start3A_125 = arith.constant 0 : i32
    %dma_start3A_126 = arith.constant 0 : i32
    %dma_start3A_127 = tpu.memref_slice %arg4[%add3A, %dma_start3A_124, %dma_start3A_125, %dma_start3A_126] : memref<32x20x80x128xf32, #tpu.memory_space<hbm>> -> memref<1x5x80x128xf32, #tpu.memory_space<hbm>>
    %dma_start3A_128 = tpu.memref_squeeze %dma_start3A_127 : memref<1x5x80x128xf32, #tpu.memory_space<hbm>> -> memref<5x80x128xf32, #tpu.memory_space<hbm>>
    tpu.enqueue_dma source(%arg6 : memref<5x80x128xf32, #tpu.memory_space<vmem>>) target(%dma_start3A_128 : memref<5x80x128xf32, #tpu.memory_space<hbm>>) target_semaphore(%arg9 : memref<!tpu.dma_semaphore, #tpu.memory_space<semaphore_mem>>)
    %dma_start3A_129 = arith.constant 5 : i32
    %dma_start3A_130 = arith.constant 0 : i32
    %dma_start3A_131 = arith.constant 0 : i32
    %dma_start3A_132 = arith.constant 0 : i32
    %dma_start3A_133 = tpu.memref_slice %arg7[%dma_start3A_130, %dma_start3A_131, %dma_start3A_132] : memref<5x80x128xf32, #tpu.memory_space<vmem>> -> memref<1x80x128xf32, #tpu.memory_space<vmem>>
    %dma_start3A_134 = tpu.memref_squeeze %dma_start3A_133 : memref<1x80x128xf32, #tpu.memory_space<vmem>> -> memref<80x128xf32, #tpu.memory_space<vmem>>
    %dma_start3A_135 = arith.constant 0 : i32
    %dma_start3A_136 = tpu.memref_slice %arg5[%dma_start3A_129, %dma_start3A_135] : memref<20x80xi32, #tpu.memory_space<vmem>> -> memref<1x80xi32, #tpu.memory_space<vmem>>
    %dma_start3A_137 = tpu.memref_squeeze %dma_start3A_136 : memref<1x80xi32, #tpu.memory_space<vmem>> -> memref<80xi32, #tpu.memory_space<vmem>>
    %dma_start3A_138 = arith.constant 0 : i32
    %dma_start3A_139 = arith.constant 0 : i32
    %dma_start3A_140 = tpu.memref_slice %arg2[%dma_start3A_138, %dma_start3A_139] : memref<507904x128xf32, #tpu.memory_space<hbm>> -> memref<507904x128xf32, #tpu.memory_space<hbm>>
    tpu.enqueue_indirect_dma source(%dma_start3A_140 : memref<507904x128xf32, #tpu.memory_space<hbm>>) target(%dma_start3A_134 : memref<80x128xf32, #tpu.memory_space<vmem>>) offsets(%dma_start3A_137 : memref<80xi32, #tpu.memory_space<vmem>>) semaphore(%arg8 : memref<!tpu.dma_semaphore, #tpu.memory_space<semaphore_mem>>)
    %dma_start3A_141 = arith.constant 6 : i32
    %dma_start3A_142 = arith.constant 1 : i32
    %dma_start3A_143 = arith.constant 0 : i32
    %dma_start3A_144 = arith.constant 0 : i32
    %dma_start3A_145 = tpu.memref_slice %arg7[%dma_start3A_142, %dma_start3A_143, %dma_start3A_144] : memref<5x80x128xf32, #tpu.memory_space<vmem>> -> memref<1x80x128xf32, #tpu.memory_space<vmem>>
    %dma_start3A_146 = tpu.memref_squeeze %dma_start3A_145 : memref<1x80x128xf32, #tpu.memory_space<vmem>> -> memref<80x128xf32, #tpu.memory_space<vmem>>
    %dma_start3A_147 = arith.constant 0 : i32
    %dma_start3A_148 = tpu.memref_slice %arg5[%dma_start3A_141, %dma_start3A_147] : memref<20x80xi32, #tpu.memory_space<vmem>> -> memref<1x80xi32, #tpu.memory_space<vmem>>
    %dma_start3A_149 = tpu.memref_squeeze %dma_start3A_148 : memref<1x80xi32, #tpu.memory_space<vmem>> -> memref<80xi32, #tpu.memory_space<vmem>>
    %dma_start3A_150 = arith.constant 0 : i32
    %dma_start3A_151 = arith.constant 0 : i32
    %dma_start3A_152 = tpu.memref_slice %arg2[%dma_start3A_150, %dma_start3A_151] : memref<507904x128xf32, #tpu.memory_space<hbm>> -> memref<507904x128xf32, #tpu.memory_space<hbm>>
    tpu.enqueue_indirect_dma source(%dma_start3A_152 : memref<507904x128xf32, #tpu.memory_space<hbm>>) target(%dma_start3A_146 : memref<80x128xf32, #tpu.memory_space<vmem>>) offsets(%dma_start3A_149 : memref<80xi32, #tpu.memory_space<vmem>>) semaphore(%arg8 : memref<!tpu.dma_semaphore, #tpu.memory_space<semaphore_mem>>)
    %dma_start3A_153 = arith.constant 7 : i32
    %dma_start3A_154 = arith.constant 2 : i32
    %dma_start3A_155 = arith.constant 0 : i32
    %dma_start3A_156 = arith.constant 0 : i32
    %dma_start3A_157 = tpu.memref_slice %arg7[%dma_start3A_154, %dma_start3A_155, %dma_start3A_156] : memref<5x80x128xf32, #tpu.memory_space<vmem>> -> memref<1x80x128xf32, #tpu.memory_space<vmem>>
    %dma_start3A_158 = tpu.memref_squeeze %dma_start3A_157 : memref<1x80x128xf32, #tpu.memory_space<vmem>> -> memref<80x128xf32, #tpu.memory_space<vmem>>
    %dma_start3A_159 = arith.constant 0 : i32
    %dma_start3A_160 = tpu.memref_slice %arg5[%dma_start3A_153, %dma_start3A_159] : memref<20x80xi32, #tpu.memory_space<vmem>> -> memref<1x80xi32, #tpu.memory_space<vmem>>
    %dma_start3A_161 = tpu.memref_squeeze %dma_start3A_160 : memref<1x80xi32, #tpu.memory_space<vmem>> -> memref<80xi32, #tpu.memory_space<vmem>>
    %dma_start3A_162 = arith.constant 0 : i32
    %dma_start3A_163 = arith.constant 0 : i32
    %dma_start3A_164 = tpu.memref_slice %arg2[%dma_start3A_162, %dma_start3A_163] : memref<507904x128xf32, #tpu.memory_space<hbm>> -> memref<507904x128xf32, #tpu.memory_space<hbm>>
    tpu.enqueue_indirect_dma source(%dma_start3A_164 : memref<507904x128xf32, #tpu.memory_space<hbm>>) target(%dma_start3A_158 : memref<80x128xf32, #tpu.memory_space<vmem>>) offsets(%dma_start3A_161 : memref<80xi32, #tpu.memory_space<vmem>>) semaphore(%arg8 : memref<!tpu.dma_semaphore, #tpu.memory_space<semaphore_mem>>)
    %dma_start3A_165 = arith.constant 8 : i32
    %dma_start3A_166 = arith.constant 3 : i32
    %dma_start3A_167 = arith.constant 0 : i32
    %dma_start3A_168 = arith.constant 0 : i32
    %dma_start3A_169 = tpu.memref_slice %arg7[%dma_start3A_166, %dma_start3A_167, %dma_start3A_168] : memref<5x80x128xf32, #tpu.memory_space<vmem>> -> memref<1x80x128xf32, #tpu.memory_space<vmem>>
    %dma_start3A_170 = tpu.memref_squeeze %dma_start3A_169 : memref<1x80x128xf32, #tpu.memory_space<vmem>> -> memref<80x128xf32, #tpu.memory_space<vmem>>
    %dma_start3A_171 = arith.constant 0 : i32
    %dma_start3A_172 = tpu.memref_slice %arg5[%dma_start3A_165, %dma_start3A_171] : memref<20x80xi32, #tpu.memory_space<vmem>> -> memref<1x80xi32, #tpu.memory_space<vmem>>
    %dma_start3A_173 = tpu.memref_squeeze %dma_start3A_172 : memref<1x80xi32, #tpu.memory_space<vmem>> -> memref<80xi32, #tpu.memory_space<vmem>>
    %dma_start3A_174 = arith.constant 0 : i32
    %dma_start3A_175 = arith.constant 0 : i32
    %dma_start3A_176 = tpu.memref_slice %arg2[%dma_start3A_174, %dma_start3A_175] : memref<507904x128xf32, #tpu.memory_space<hbm>> -> memref<507904x128xf32, #tpu.memory_space<hbm>>
    tpu.enqueue_indirect_dma source(%dma_start3A_176 : memref<507904x128xf32, #tpu.memory_space<hbm>>) target(%dma_start3A_170 : memref<80x128xf32, #tpu.memory_space<vmem>>) offsets(%dma_start3A_173 : memref<80xi32, #tpu.memory_space<vmem>>) semaphore(%arg8 : memref<!tpu.dma_semaphore, #tpu.memory_space<semaphore_mem>>)
    %dma_start3A_177 = arith.constant 9 : i32
    %dma_start3A_178 = arith.constant 4 : i32
    %dma_start3A_179 = arith.constant 0 : i32
    %dma_start3A_180 = arith.constant 0 : i32
    %dma_start3A_181 = tpu.memref_slice %arg7[%dma_start3A_178, %dma_start3A_179, %dma_start3A_180] : memref<5x80x128xf32, #tpu.memory_space<vmem>> -> memref<1x80x128xf32, #tpu.memory_space<vmem>>
    %dma_start3A_182 = tpu.memref_squeeze %dma_start3A_181 : memref<1x80x128xf32, #tpu.memory_space<vmem>> -> memref<80x128xf32, #tpu.memory_space<vmem>>
    %dma_start3A_183 = arith.constant 0 : i32
    %dma_start3A_184 = tpu.memref_slice %arg5[%dma_start3A_177, %dma_start3A_183] : memref<20x80xi32, #tpu.memory_space<vmem>> -> memref<1x80xi32, #tpu.memory_space<vmem>>
    %dma_start3A_185 = tpu.memref_squeeze %dma_start3A_184 : memref<1x80xi32, #tpu.memory_space<vmem>> -> memref<80xi32, #tpu.memory_space<vmem>>
    %dma_start3A_186 = arith.constant 0 : i32
    %dma_start3A_187 = arith.constant 0 : i32
    %dma_start3A_188 = tpu.memref_slice %arg2[%dma_start3A_186, %dma_start3A_187] : memref<507904x128xf32, #tpu.memory_space<hbm>> -> memref<507904x128xf32, #tpu.memory_space<hbm>>
    tpu.enqueue_indirect_dma source(%dma_start3A_188 : memref<507904x128xf32, #tpu.memory_space<hbm>>) target(%dma_start3A_182 : memref<80x128xf32, #tpu.memory_space<vmem>>) offsets(%dma_start3A_185 : memref<80xi32, #tpu.memory_space<vmem>>) semaphore(%arg8 : memref<!tpu.dma_semaphore, #tpu.memory_space<semaphore_mem>>)
    %dma_wait3A_189 = arith.constant 5 : i32
    %dma_wait3A_190 = arith.constant 0 : i32
    %dma_wait3A_191 = arith.constant 0 : i32
    %dma_wait3A_192 = arith.constant 0 : i32
    %dma_wait3A_193 = tpu.memref_slice %arg7[%dma_wait3A_190, %dma_wait3A_191, %dma_wait3A_192] : memref<5x80x128xf32, #tpu.memory_space<vmem>> -> memref<1x80x128xf32, #tpu.memory_space<vmem>>
    %dma_wait3A_194 = tpu.memref_squeeze %dma_wait3A_193 : memref<1x80x128xf32, #tpu.memory_space<vmem>> -> memref<80x128xf32, #tpu.memory_space<vmem>>
    %dma_wait3A_195 = arith.constant 0 : i32
    %dma_wait3A_196 = tpu.memref_slice %arg5[%dma_wait3A_189, %dma_wait3A_195] : memref<20x80xi32, #tpu.memory_space<vmem>> -> memref<1x80xi32, #tpu.memory_space<vmem>>
    %dma_wait3A_197 = tpu.memref_squeeze %dma_wait3A_196 : memref<1x80xi32, #tpu.memory_space<vmem>> -> memref<80xi32, #tpu.memory_space<vmem>>
    %dma_wait3A_198 = arith.constant 0 : i32
    %dma_wait3A_199 = arith.constant 0 : i32
    %dma_wait3A_200 = tpu.memref_slice %arg2[%dma_wait3A_198, %dma_wait3A_199] : memref<507904x128xf32, #tpu.memory_space<hbm>> -> memref<507904x128xf32, #tpu.memory_space<hbm>>
    tpu.wait_indirect_dma semaphore(%arg8 : memref<!tpu.dma_semaphore, #tpu.memory_space<semaphore_mem>>) src(%dma_wait3A_200 : memref<507904x128xf32, #tpu.memory_space<hbm>>) dst(%dma_wait3A_194 : memref<80x128xf32, #tpu.memory_space<vmem>>)
    %dma_wait3A_201 = arith.constant 6 : i32
    %dma_wait3A_202 = arith.constant 1 : i32
    %dma_wait3A_203 = arith.constant 0 : i32
    %dma_wait3A_204 = arith.constant 0 : i32
    %dma_wait3A_205 = tpu.memref_slice %arg7[%dma_wait3A_202, %dma_wait3A_203, %dma_wait3A_204] : memref<5x80x128xf32, #tpu.memory_space<vmem>> -> memref<1x80x128xf32, #tpu.memory_space<vmem>>
    %dma_wait3A_206 = tpu.memref_squeeze %dma_wait3A_205 : memref<1x80x128xf32, #tpu.memory_space<vmem>> -> memref<80x128xf32, #tpu.memory_space<vmem>>
    %dma_wait3A_207 = arith.constant 0 : i32
    %dma_wait3A_208 = tpu.memref_slice %arg5[%dma_wait3A_201, %dma_wait3A_207] : memref<20x80xi32, #tpu.memory_space<vmem>> -> memref<1x80xi32, #tpu.memory_space<vmem>>
    %dma_wait3A_209 = tpu.memref_squeeze %dma_wait3A_208 : memref<1x80xi32, #tpu.memory_space<vmem>> -> memref<80xi32, #tpu.memory_space<vmem>>
    %dma_wait3A_210 = arith.constant 0 : i32
    %dma_wait3A_211 = arith.constant 0 : i32
    %dma_wait3A_212 = tpu.memref_slice %arg2[%dma_wait3A_210, %dma_wait3A_211] : memref<507904x128xf32, #tpu.memory_space<hbm>> -> memref<507904x128xf32, #tpu.memory_space<hbm>>
    tpu.wait_indirect_dma semaphore(%arg8 : memref<!tpu.dma_semaphore, #tpu.memory_space<semaphore_mem>>) src(%dma_wait3A_212 : memref<507904x128xf32, #tpu.memory_space<hbm>>) dst(%dma_wait3A_206 : memref<80x128xf32, #tpu.memory_space<vmem>>)
    %dma_wait3A_213 = arith.constant 7 : i32
    %dma_wait3A_214 = arith.constant 2 : i32
    %dma_wait3A_215 = arith.constant 0 : i32
    %dma_wait3A_216 = arith.constant 0 : i32
    %dma_wait3A_217 = tpu.memref_slice %arg7[%dma_wait3A_214, %dma_wait3A_215, %dma_wait3A_216] : memref<5x80x128xf32, #tpu.memory_space<vmem>> -> memref<1x80x128xf32, #tpu.memory_space<vmem>>
    %dma_wait3A_218 = tpu.memref_squeeze %dma_wait3A_217 : memref<1x80x128xf32, #tpu.memory_space<vmem>> -> memref<80x128xf32, #tpu.memory_space<vmem>>
    %dma_wait3A_219 = arith.constant 0 : i32
    %dma_wait3A_220 = tpu.memref_slice %arg5[%dma_wait3A_213, %dma_wait3A_219] : memref<20x80xi32, #tpu.memory_space<vmem>> -> memref<1x80xi32, #tpu.memory_space<vmem>>
    %dma_wait3A_221 = tpu.memref_squeeze %dma_wait3A_220 : memref<1x80xi32, #tpu.memory_space<vmem>> -> memref<80xi32, #tpu.memory_space<vmem>>
    %dma_wait3A_222 = arith.constant 0 : i32
    %dma_wait3A_223 = arith.constant 0 : i32
    %dma_wait3A_224 = tpu.memref_slice %arg2[%dma_wait3A_222, %dma_wait3A_223] : memref<507904x128xf32, #tpu.memory_space<hbm>> -> memref<507904x128xf32, #tpu.memory_space<hbm>>
    tpu.wait_indirect_dma semaphore(%arg8 : memref<!tpu.dma_semaphore, #tpu.memory_space<semaphore_mem>>) src(%dma_wait3A_224 : memref<507904x128xf32, #tpu.memory_space<hbm>>) dst(%dma_wait3A_218 : memref<80x128xf32, #tpu.memory_space<vmem>>)
    %dma_wait3A_225 = arith.constant 8 : i32
    %dma_wait3A_226 = arith.constant 3 : i32
    %dma_wait3A_227 = arith.constant 0 : i32
    %dma_wait3A_228 = arith.constant 0 : i32
    %dma_wait3A_229 = tpu.memref_slice %arg7[%dma_wait3A_226, %dma_wait3A_227, %dma_wait3A_228] : memref<5x80x128xf32, #tpu.memory_space<vmem>> -> memref<1x80x128xf32, #tpu.memory_space<vmem>>
    %dma_wait3A_230 = tpu.memref_squeeze %dma_wait3A_229 : memref<1x80x128xf32, #tpu.memory_space<vmem>> -> memref<80x128xf32, #tpu.memory_space<vmem>>
    %dma_wait3A_231 = arith.constant 0 : i32
    %dma_wait3A_232 = tpu.memref_slice %arg5[%dma_wait3A_225, %dma_wait3A_231] : memref<20x80xi32, #tpu.memory_space<vmem>> -> memref<1x80xi32, #tpu.memory_space<vmem>>
    %dma_wait3A_233 = tpu.memref_squeeze %dma_wait3A_232 : memref<1x80xi32, #tpu.memory_space<vmem>> -> memref<80xi32, #tpu.memory_space<vmem>>
    %dma_wait3A_234 = arith.constant 0 : i32
    %dma_wait3A_235 = arith.constant 0 : i32
    %dma_wait3A_236 = tpu.memref_slice %arg2[%dma_wait3A_234, %dma_wait3A_235] : memref<507904x128xf32, #tpu.memory_space<hbm>> -> memref<507904x128xf32, #tpu.memory_space<hbm>>
    tpu.wait_indirect_dma semaphore(%arg8 : memref<!tpu.dma_semaphore, #tpu.memory_space<semaphore_mem>>) src(%dma_wait3A_236 : memref<507904x128xf32, #tpu.memory_space<hbm>>) dst(%dma_wait3A_230 : memref<80x128xf32, #tpu.memory_space<vmem>>)
    %dma_wait3A_237 = arith.constant 9 : i32
    %dma_wait3A_238 = arith.constant 4 : i32
    %dma_wait3A_239 = arith.constant 0 : i32
    %dma_wait3A_240 = arith.constant 0 : i32
    %dma_wait3A_241 = tpu.memref_slice %arg7[%dma_wait3A_238, %dma_wait3A_239, %dma_wait3A_240] : memref<5x80x128xf32, #tpu.memory_space<vmem>> -> memref<1x80x128xf32, #tpu.memory_space<vmem>>
    %dma_wait3A_242 = tpu.memref_squeeze %dma_wait3A_241 : memref<1x80x128xf32, #tpu.memory_space<vmem>> -> memref<80x128xf32, #tpu.memory_space<vmem>>
    %dma_wait3A_243 = arith.constant 0 : i32
    %dma_wait3A_244 = tpu.memref_slice %arg5[%dma_wait3A_237, %dma_wait3A_243] : memref<20x80xi32, #tpu.memory_space<vmem>> -> memref<1x80xi32, #tpu.memory_space<vmem>>
    %dma_wait3A_245 = tpu.memref_squeeze %dma_wait3A_244 : memref<1x80xi32, #tpu.memory_space<vmem>> -> memref<80xi32, #tpu.memory_space<vmem>>
    %dma_wait3A_246 = arith.constant 0 : i32
    %dma_wait3A_247 = arith.constant 0 : i32
    %dma_wait3A_248 = tpu.memref_slice %arg2[%dma_wait3A_246, %dma_wait3A_247] : memref<507904x128xf32, #tpu.memory_space<hbm>> -> memref<507904x128xf32, #tpu.memory_space<hbm>>
    tpu.wait_indirect_dma semaphore(%arg8 : memref<!tpu.dma_semaphore, #tpu.memory_space<semaphore_mem>>) src(%dma_wait3A_248 : memref<507904x128xf32, #tpu.memory_space<hbm>>) dst(%dma_wait3A_242 : memref<80x128xf32, #tpu.memory_space<vmem>>)
    %dma_start3A_249 = arith.constant 5 : i32
    %dma_start3A_250 = arith.constant 0 : i32
    %dma_start3A_251 = arith.constant 0 : i32
    %dma_start3A_252 = tpu.memref_slice %arg4[%add3A, %dma_start3A_249, %dma_start3A_250, %dma_start3A_251] : memref<32x20x80x128xf32, #tpu.memory_space<hbm>> -> memref<1x5x80x128xf32, #tpu.memory_space<hbm>>
    %dma_start3A_253 = tpu.memref_squeeze %dma_start3A_252 : memref<1x5x80x128xf32, #tpu.memory_space<hbm>> -> memref<5x80x128xf32, #tpu.memory_space<hbm>>
    %dma_start3A_254 = arith.constant 5 : i32
    %dma_start3A_255 = arith.constant 0 : i32
    %dma_start3A_256 = arith.constant 0 : i32
    %dma_start3A_257 = tpu.memref_slice %arg4[%add3A, %dma_start3A_254, %dma_start3A_255, %dma_start3A_256] : memref<32x20x80x128xf32, #tpu.memory_space<hbm>> -> memref<1x5x80x128xf32, #tpu.memory_space<hbm>>
    %dma_start3A_258 = tpu.memref_squeeze %dma_start3A_257 : memref<1x5x80x128xf32, #tpu.memory_space<hbm>> -> memref<5x80x128xf32, #tpu.memory_space<hbm>>
    tpu.enqueue_dma source(%arg7 : memref<5x80x128xf32, #tpu.memory_space<vmem>>) target(%dma_start3A_258 : memref<5x80x128xf32, #tpu.memory_space<hbm>>) target_semaphore(%arg9 : memref<!tpu.dma_semaphore, #tpu.memory_space<semaphore_mem>>)
    %dma_wait3A_259 = arith.constant 0 : i32
    %dma_wait3A_260 = arith.constant 0 : i32
    %dma_wait3A_261 = arith.constant 0 : i32
    %dma_wait3A_262 = tpu.memref_slice %arg4[%add3A, %dma_wait3A_259, %dma_wait3A_260, %dma_wait3A_261] : memref<32x20x80x128xf32, #tpu.memory_space<hbm>> -> memref<1x5x80x128xf32, #tpu.memory_space<hbm>>
    %dma_wait3A_263 = tpu.memref_squeeze %dma_wait3A_262 : memref<1x5x80x128xf32, #tpu.memory_space<hbm>> -> memref<5x80x128xf32, #tpu.memory_space<hbm>>
    %dma_wait3A_264 = arith.constant 0 : i32
    %dma_wait3A_265 = arith.constant 0 : i32
    %dma_wait3A_266 = arith.constant 0 : i32
    %dma_wait3A_267 = tpu.memref_slice %arg4[%add3A, %dma_wait3A_264, %dma_wait3A_265, %dma_wait3A_266] : memref<32x20x80x128xf32, #tpu.memory_space<hbm>> -> memref<1x5x80x128xf32, #tpu.memory_space<hbm>>
    %dma_wait3A_268 = tpu.memref_squeeze %dma_wait3A_267 : memref<1x5x80x128xf32, #tpu.memory_space<hbm>> -> memref<5x80x128xf32, #tpu.memory_space<hbm>>
    tpu.wait_dma2 semaphore(%arg9 : memref<!tpu.dma_semaphore, #tpu.memory_space<semaphore_mem>>) src(%arg6 : memref<5x80x128xf32, #tpu.memory_space<vmem>>) dst(%dma_wait3A_268 : memref<5x80x128xf32, #tpu.memory_space<hbm>>)
    %dma_start3A_269 = arith.constant 10 : i32
    %dma_start3A_270 = arith.constant 0 : i32
    %dma_start3A_271 = arith.constant 0 : i32
    %dma_start3A_272 = arith.constant 0 : i32
    %dma_start3A_273 = tpu.memref_slice %arg6[%dma_start3A_270, %dma_start3A_271, %dma_start3A_272] : memref<5x80x128xf32, #tpu.memory_space<vmem>> -> memref<1x80x128xf32, #tpu.memory_space<vmem>>
    %dma_start3A_274 = tpu.memref_squeeze %dma_start3A_273 : memref<1x80x128xf32, #tpu.memory_space<vmem>> -> memref<80x128xf32, #tpu.memory_space<vmem>>
    %dma_start3A_275 = arith.constant 0 : i32
    %dma_start3A_276 = tpu.memref_slice %arg5[%dma_start3A_269, %dma_start3A_275] : memref<20x80xi32, #tpu.memory_space<vmem>> -> memref<1x80xi32, #tpu.memory_space<vmem>>
    %dma_start3A_277 = tpu.memref_squeeze %dma_start3A_276 : memref<1x80xi32, #tpu.memory_space<vmem>> -> memref<80xi32, #tpu.memory_space<vmem>>
    %dma_start3A_278 = arith.constant 0 : i32
    %dma_start3A_279 = arith.constant 0 : i32
    %dma_start3A_280 = tpu.memref_slice %arg2[%dma_start3A_278, %dma_start3A_279] : memref<507904x128xf32, #tpu.memory_space<hbm>> -> memref<507904x128xf32, #tpu.memory_space<hbm>>
    tpu.enqueue_indirect_dma source(%dma_start3A_280 : memref<507904x128xf32, #tpu.memory_space<hbm>>) target(%dma_start3A_274 : memref<80x128xf32, #tpu.memory_space<vmem>>) offsets(%dma_start3A_277 : memref<80xi32, #tpu.memory_space<vmem>>) semaphore(%arg8 : memref<!tpu.dma_semaphore, #tpu.memory_space<semaphore_mem>>)
    %dma_start3A_281 = arith.constant 11 : i32
    %dma_start3A_282 = arith.constant 1 : i32
    %dma_start3A_283 = arith.constant 0 : i32
    %dma_start3A_284 = arith.constant 0 : i32
    %dma_start3A_285 = tpu.memref_slice %arg6[%dma_start3A_282, %dma_start3A_283, %dma_start3A_284] : memref<5x80x128xf32, #tpu.memory_space<vmem>> -> memref<1x80x128xf32, #tpu.memory_space<vmem>>
    %dma_start3A_286 = tpu.memref_squeeze %dma_start3A_285 : memref<1x80x128xf32, #tpu.memory_space<vmem>> -> memref<80x128xf32, #tpu.memory_space<vmem>>
    %dma_start3A_287 = arith.constant 0 : i32
    %dma_start3A_288 = tpu.memref_slice %arg5[%dma_start3A_281, %dma_start3A_287] : memref<20x80xi32, #tpu.memory_space<vmem>> -> memref<1x80xi32, #tpu.memory_space<vmem>>
    %dma_start3A_289 = tpu.memref_squeeze %dma_start3A_288 : memref<1x80xi32, #tpu.memory_space<vmem>> -> memref<80xi32, #tpu.memory_space<vmem>>
    %dma_start3A_290 = arith.constant 0 : i32
    %dma_start3A_291 = arith.constant 0 : i32
    %dma_start3A_292 = tpu.memref_slice %arg2[%dma_start3A_290, %dma_start3A_291] : memref<507904x128xf32, #tpu.memory_space<hbm>> -> memref<507904x128xf32, #tpu.memory_space<hbm>>
    tpu.enqueue_indirect_dma source(%dma_start3A_292 : memref<507904x128xf32, #tpu.memory_space<hbm>>) target(%dma_start3A_286 : memref<80x128xf32, #tpu.memory_space<vmem>>) offsets(%dma_start3A_289 : memref<80xi32, #tpu.memory_space<vmem>>) semaphore(%arg8 : memref<!tpu.dma_semaphore, #tpu.memory_space<semaphore_mem>>)
    %dma_start3A_293 = arith.constant 12 : i32
    %dma_start3A_294 = arith.constant 2 : i32
    %dma_start3A_295 = arith.constant 0 : i32
    %dma_start3A_296 = arith.constant 0 : i32
    %dma_start3A_297 = tpu.memref_slice %arg6[%dma_start3A_294, %dma_start3A_295, %dma_start3A_296] : memref<5x80x128xf32, #tpu.memory_space<vmem>> -> memref<1x80x128xf32, #tpu.memory_space<vmem>>
    %dma_start3A_298 = tpu.memref_squeeze %dma_start3A_297 : memref<1x80x128xf32, #tpu.memory_space<vmem>> -> memref<80x128xf32, #tpu.memory_space<vmem>>
    %dma_start3A_299 = arith.constant 0 : i32
    %dma_start3A_300 = tpu.memref_slice %arg5[%dma_start3A_293, %dma_start3A_299] : memref<20x80xi32, #tpu.memory_space<vmem>> -> memref<1x80xi32, #tpu.memory_space<vmem>>
    %dma_start3A_301 = tpu.memref_squeeze %dma_start3A_300 : memref<1x80xi32, #tpu.memory_space<vmem>> -> memref<80xi32, #tpu.memory_space<vmem>>
    %dma_start3A_302 = arith.constant 0 : i32
    %dma_start3A_303 = arith.constant 0 : i32
    %dma_start3A_304 = tpu.memref_slice %arg2[%dma_start3A_302, %dma_start3A_303] : memref<507904x128xf32, #tpu.memory_space<hbm>> -> memref<507904x128xf32, #tpu.memory_space<hbm>>
    tpu.enqueue_indirect_dma source(%dma_start3A_304 : memref<507904x128xf32, #tpu.memory_space<hbm>>) target(%dma_start3A_298 : memref<80x128xf32, #tpu.memory_space<vmem>>) offsets(%dma_start3A_301 : memref<80xi32, #tpu.memory_space<vmem>>) semaphore(%arg8 : memref<!tpu.dma_semaphore, #tpu.memory_space<semaphore_mem>>)
    %dma_start3A_305 = arith.constant 13 : i32
    %dma_start3A_306 = arith.constant 3 : i32
    %dma_start3A_307 = arith.constant 0 : i32
    %dma_start3A_308 = arith.constant 0 : i32
    %dma_start3A_309 = tpu.memref_slice %arg6[%dma_start3A_306, %dma_start3A_307, %dma_start3A_308] : memref<5x80x128xf32, #tpu.memory_space<vmem>> -> memref<1x80x128xf32, #tpu.memory_space<vmem>>
    %dma_start3A_310 = tpu.memref_squeeze %dma_start3A_309 : memref<1x80x128xf32, #tpu.memory_space<vmem>> -> memref<80x128xf32, #tpu.memory_space<vmem>>
    %dma_start3A_311 = arith.constant 0 : i32
    %dma_start3A_312 = tpu.memref_slice %arg5[%dma_start3A_305, %dma_start3A_311] : memref<20x80xi32, #tpu.memory_space<vmem>> -> memref<1x80xi32, #tpu.memory_space<vmem>>
    %dma_start3A_313 = tpu.memref_squeeze %dma_start3A_312 : memref<1x80xi32, #tpu.memory_space<vmem>> -> memref<80xi32, #tpu.memory_space<vmem>>
    %dma_start3A_314 = arith.constant 0 : i32
    %dma_start3A_315 = arith.constant 0 : i32
    %dma_start3A_316 = tpu.memref_slice %arg2[%dma_start3A_314, %dma_start3A_315] : memref<507904x128xf32, #tpu.memory_space<hbm>> -> memref<507904x128xf32, #tpu.memory_space<hbm>>
    tpu.enqueue_indirect_dma source(%dma_start3A_316 : memref<507904x128xf32, #tpu.memory_space<hbm>>) target(%dma_start3A_310 : memref<80x128xf32, #tpu.memory_space<vmem>>) offsets(%dma_start3A_313 : memref<80xi32, #tpu.memory_space<vmem>>) semaphore(%arg8 : memref<!tpu.dma_semaphore, #tpu.memory_space<semaphore_mem>>)
    %dma_start3A_317 = arith.constant 14 : i32
    %dma_start3A_318 = arith.constant 4 : i32
    %dma_start3A_319 = arith.constant 0 : i32
    %dma_start3A_320 = arith.constant 0 : i32
    %dma_start3A_321 = tpu.memref_slice %arg6[%dma_start3A_318, %dma_start3A_319, %dma_start3A_320] : memref<5x80x128xf32, #tpu.memory_space<vmem>> -> memref<1x80x128xf32, #tpu.memory_space<vmem>>
    %dma_start3A_322 = tpu.memref_squeeze %dma_start3A_321 : memref<1x80x128xf32, #tpu.memory_space<vmem>> -> memref<80x128xf32, #tpu.memory_space<vmem>>
    %dma_start3A_323 = arith.constant 0 : i32
    %dma_start3A_324 = tpu.memref_slice %arg5[%dma_start3A_317, %dma_start3A_323] : memref<20x80xi32, #tpu.memory_space<vmem>> -> memref<1x80xi32, #tpu.memory_space<vmem>>
    %dma_start3A_325 = tpu.memref_squeeze %dma_start3A_324 : memref<1x80xi32, #tpu.memory_space<vmem>> -> memref<80xi32, #tpu.memory_space<vmem>>
    %dma_start3A_326 = arith.constant 0 : i32
    %dma_start3A_327 = arith.constant 0 : i32
    %dma_start3A_328 = tpu.memref_slice %arg2[%dma_start3A_326, %dma_start3A_327] : memref<507904x128xf32, #tpu.memory_space<hbm>> -> memref<507904x128xf32, #tpu.memory_space<hbm>>
    tpu.enqueue_indirect_dma source(%dma_start3A_328 : memref<507904x128xf32, #tpu.memory_space<hbm>>) target(%dma_start3A_322 : memref<80x128xf32, #tpu.memory_space<vmem>>) offsets(%dma_start3A_325 : memref<80xi32, #tpu.memory_space<vmem>>) semaphore(%arg8 : memref<!tpu.dma_semaphore, #tpu.memory_space<semaphore_mem>>)
    %dma_wait3A_329 = arith.constant 10 : i32
    %dma_wait3A_330 = arith.constant 0 : i32
    %dma_wait3A_331 = arith.constant 0 : i32
    %dma_wait3A_332 = arith.constant 0 : i32
    %dma_wait3A_333 = tpu.memref_slice %arg6[%dma_wait3A_330, %dma_wait3A_331, %dma_wait3A_332] : memref<5x80x128xf32, #tpu.memory_space<vmem>> -> memref<1x80x128xf32, #tpu.memory_space<vmem>>
    %dma_wait3A_334 = tpu.memref_squeeze %dma_wait3A_333 : memref<1x80x128xf32, #tpu.memory_space<vmem>> -> memref<80x128xf32, #tpu.memory_space<vmem>>
    %dma_wait3A_335 = arith.constant 0 : i32
    %dma_wait3A_336 = tpu.memref_slice %arg5[%dma_wait3A_329, %dma_wait3A_335] : memref<20x80xi32, #tpu.memory_space<vmem>> -> memref<1x80xi32, #tpu.memory_space<vmem>>
    %dma_wait3A_337 = tpu.memref_squeeze %dma_wait3A_336 : memref<1x80xi32, #tpu.memory_space<vmem>> -> memref<80xi32, #tpu.memory_space<vmem>>
    %dma_wait3A_338 = arith.constant 0 : i32
    %dma_wait3A_339 = arith.constant 0 : i32
    %dma_wait3A_340 = tpu.memref_slice %arg2[%dma_wait3A_338, %dma_wait3A_339] : memref<507904x128xf32, #tpu.memory_space<hbm>> -> memref<507904x128xf32, #tpu.memory_space<hbm>>
    tpu.wait_indirect_dma semaphore(%arg8 : memref<!tpu.dma_semaphore, #tpu.memory_space<semaphore_mem>>) src(%dma_wait3A_340 : memref<507904x128xf32, #tpu.memory_space<hbm>>) dst(%dma_wait3A_334 : memref<80x128xf32, #tpu.memory_space<vmem>>)
    %dma_wait3A_341 = arith.constant 11 : i32
    %dma_wait3A_342 = arith.constant 1 : i32
    %dma_wait3A_343 = arith.constant 0 : i32
    %dma_wait3A_344 = arith.constant 0 : i32
    %dma_wait3A_345 = tpu.memref_slice %arg6[%dma_wait3A_342, %dma_wait3A_343, %dma_wait3A_344] : memref<5x80x128xf32, #tpu.memory_space<vmem>> -> memref<1x80x128xf32, #tpu.memory_space<vmem>>
    %dma_wait3A_346 = tpu.memref_squeeze %dma_wait3A_345 : memref<1x80x128xf32, #tpu.memory_space<vmem>> -> memref<80x128xf32, #tpu.memory_space<vmem>>
    %dma_wait3A_347 = arith.constant 0 : i32
    %dma_wait3A_348 = tpu.memref_slice %arg5[%dma_wait3A_341, %dma_wait3A_347] : memref<20x80xi32, #tpu.memory_space<vmem>> -> memref<1x80xi32, #tpu.memory_space<vmem>>
    %dma_wait3A_349 = tpu.memref_squeeze %dma_wait3A_348 : memref<1x80xi32, #tpu.memory_space<vmem>> -> memref<80xi32, #tpu.memory_space<vmem>>
    %dma_wait3A_350 = arith.constant 0 : i32
    %dma_wait3A_351 = arith.constant 0 : i32
    %dma_wait3A_352 = tpu.memref_slice %arg2[%dma_wait3A_350, %dma_wait3A_351] : memref<507904x128xf32, #tpu.memory_space<hbm>> -> memref<507904x128xf32, #tpu.memory_space<hbm>>
    tpu.wait_indirect_dma semaphore(%arg8 : memref<!tpu.dma_semaphore, #tpu.memory_space<semaphore_mem>>) src(%dma_wait3A_352 : memref<507904x128xf32, #tpu.memory_space<hbm>>) dst(%dma_wait3A_346 : memref<80x128xf32, #tpu.memory_space<vmem>>)
    %dma_wait3A_353 = arith.constant 12 : i32
    %dma_wait3A_354 = arith.constant 2 : i32
    %dma_wait3A_355 = arith.constant 0 : i32
    %dma_wait3A_356 = arith.constant 0 : i32
    %dma_wait3A_357 = tpu.memref_slice %arg6[%dma_wait3A_354, %dma_wait3A_355, %dma_wait3A_356] : memref<5x80x128xf32, #tpu.memory_space<vmem>> -> memref<1x80x128xf32, #tpu.memory_space<vmem>>
    %dma_wait3A_358 = tpu.memref_squeeze %dma_wait3A_357 : memref<1x80x128xf32, #tpu.memory_space<vmem>> -> memref<80x128xf32, #tpu.memory_space<vmem>>
    %dma_wait3A_359 = arith.constant 0 : i32
    %dma_wait3A_360 = tpu.memref_slice %arg5[%dma_wait3A_353, %dma_wait3A_359] : memref<20x80xi32, #tpu.memory_space<vmem>> -> memref<1x80xi32, #tpu.memory_space<vmem>>
    %dma_wait3A_361 = tpu.memref_squeeze %dma_wait3A_360 : memref<1x80xi32, #tpu.memory_space<vmem>> -> memref<80xi32, #tpu.memory_space<vmem>>
    %dma_wait3A_362 = arith.constant 0 : i32
    %dma_wait3A_363 = arith.constant 0 : i32
    %dma_wait3A_364 = tpu.memref_slice %arg2[%dma_wait3A_362, %dma_wait3A_363] : memref<507904x128xf32, #tpu.memory_space<hbm>> -> memref<507904x128xf32, #tpu.memory_space<hbm>>
    tpu.wait_indirect_dma semaphore(%arg8 : memref<!tpu.dma_semaphore, #tpu.memory_space<semaphore_mem>>) src(%dma_wait3A_364 : memref<507904x128xf32, #tpu.memory_space<hbm>>) dst(%dma_wait3A_358 : memref<80x128xf32, #tpu.memory_space<vmem>>)
    %dma_wait3A_365 = arith.constant 13 : i32
    %dma_wait3A_366 = arith.constant 3 : i32
    %dma_wait3A_367 = arith.constant 0 : i32
    %dma_wait3A_368 = arith.constant 0 : i32
    %dma_wait3A_369 = tpu.memref_slice %arg6[%dma_wait3A_366, %dma_wait3A_367, %dma_wait3A_368] : memref<5x80x128xf32, #tpu.memory_space<vmem>> -> memref<1x80x128xf32, #tpu.memory_space<vmem>>
    %dma_wait3A_370 = tpu.memref_squeeze %dma_wait3A_369 : memref<1x80x128xf32, #tpu.memory_space<vmem>> -> memref<80x128xf32, #tpu.memory_space<vmem>>
    %dma_wait3A_371 = arith.constant 0 : i32
    %dma_wait3A_372 = tpu.memref_slice %arg5[%dma_wait3A_365, %dma_wait3A_371] : memref<20x80xi32, #tpu.memory_space<vmem>> -> memref<1x80xi32, #tpu.memory_space<vmem>>
    %dma_wait3A_373 = tpu.memref_squeeze %dma_wait3A_372 : memref<1x80xi32, #tpu.memory_space<vmem>> -> memref<80xi32, #tpu.memory_space<vmem>>
    %dma_wait3A_374 = arith.constant 0 : i32
    %dma_wait3A_375 = arith.constant 0 : i32
    %dma_wait3A_376 = tpu.memref_slice %arg2[%dma_wait3A_374, %dma_wait3A_375] : memref<507904x128xf32, #tpu.memory_space<hbm>> -> memref<507904x128xf32, #tpu.memory_space<hbm>>
    tpu.wait_indirect_dma semaphore(%arg8 : memref<!tpu.dma_semaphore, #tpu.memory_space<semaphore_mem>>) src(%dma_wait3A_376 : memref<507904x128xf32, #tpu.memory_space<hbm>>) dst(%dma_wait3A_370 : memref<80x128xf32, #tpu.memory_space<vmem>>)
    %dma_wait3A_377 = arith.constant 14 : i32
    %dma_wait3A_378 = arith.constant 4 : i32
    %dma_wait3A_379 = arith.constant 0 : i32
    %dma_wait3A_380 = arith.constant 0 : i32
    %dma_wait3A_381 = tpu.memref_slice %arg6[%dma_wait3A_378, %dma_wait3A_379, %dma_wait3A_380] : memref<5x80x128xf32, #tpu.memory_space<vmem>> -> memref<1x80x128xf32, #tpu.memory_space<vmem>>
    %dma_wait3A_382 = tpu.memref_squeeze %dma_wait3A_381 : memref<1x80x128xf32, #tpu.memory_space<vmem>> -> memref<80x128xf32, #tpu.memory_space<vmem>>
    %dma_wait3A_383 = arith.constant 0 : i32
    %dma_wait3A_384 = tpu.memref_slice %arg5[%dma_wait3A_377, %dma_wait3A_383] : memref<20x80xi32, #tpu.memory_space<vmem>> -> memref<1x80xi32, #tpu.memory_space<vmem>>
    %dma_wait3A_385 = tpu.memref_squeeze %dma_wait3A_384 : memref<1x80xi32, #tpu.memory_space<vmem>> -> memref<80xi32, #tpu.memory_space<vmem>>
    %dma_wait3A_386 = arith.constant 0 : i32
    %dma_wait3A_387 = arith.constant 0 : i32
    %dma_wait3A_388 = tpu.memref_slice %arg2[%dma_wait3A_386, %dma_wait3A_387] : memref<507904x128xf32, #tpu.memory_space<hbm>> -> memref<507904x128xf32, #tpu.memory_space<hbm>>
    tpu.wait_indirect_dma semaphore(%arg8 : memref<!tpu.dma_semaphore, #tpu.memory_space<semaphore_mem>>) src(%dma_wait3A_388 : memref<507904x128xf32, #tpu.memory_space<hbm>>) dst(%dma_wait3A_382 : memref<80x128xf32, #tpu.memory_space<vmem>>)
    %dma_start3A_389 = arith.constant 10 : i32
    %dma_start3A_390 = arith.constant 0 : i32
    %dma_start3A_391 = arith.constant 0 : i32
    %dma_start3A_392 = tpu.memref_slice %arg4[%add3A, %dma_start3A_389, %dma_start3A_390, %dma_start3A_391] : memref<32x20x80x128xf32, #tpu.memory_space<hbm>> -> memref<1x5x80x128xf32, #tpu.memory_space<hbm>>
    %dma_start3A_393 = tpu.memref_squeeze %dma_start3A_392 : memref<1x5x80x128xf32, #tpu.memory_space<hbm>> -> memref<5x80x128xf32, #tpu.memory_space<hbm>>
    %dma_start3A_394 = arith.constant 10 : i32
    %dma_start3A_395 = arith.constant 0 : i32
    %dma_start3A_396 = arith.constant 0 : i32
    %dma_start3A_397 = tpu.memref_slice %arg4[%add3A, %dma_start3A_394, %dma_start3A_395, %dma_start3A_396] : memref<32x20x80x128xf32, #tpu.memory_space<hbm>> -> memref<1x5x80x128xf32, #tpu.memory_space<hbm>>
    %dma_start3A_398 = tpu.memref_squeeze %dma_start3A_397 : memref<1x5x80x128xf32, #tpu.memory_space<hbm>> -> memref<5x80x128xf32, #tpu.memory_space<hbm>>
    tpu.enqueue_dma source(%arg6 : memref<5x80x128xf32, #tpu.memory_space<vmem>>) target(%dma_start3A_398 : memref<5x80x128xf32, #tpu.memory_space<hbm>>) target_semaphore(%arg9 : memref<!tpu.dma_semaphore, #tpu.memory_space<semaphore_mem>>)
    %dma_wait3A_399 = arith.constant 5 : i32
    %dma_wait3A_400 = arith.constant 0 : i32
    %dma_wait3A_401 = arith.constant 0 : i32
    %dma_wait3A_402 = tpu.memref_slice %arg4[%add3A, %dma_wait3A_399, %dma_wait3A_400, %dma_wait3A_401] : memref<32x20x80x128xf32, #tpu.memory_space<hbm>> -> memref<1x5x80x128xf32, #tpu.memory_space<hbm>>
    %dma_wait3A_403 = tpu.memref_squeeze %dma_wait3A_402 : memref<1x5x80x128xf32, #tpu.memory_space<hbm>> -> memref<5x80x128xf32, #tpu.memory_space<hbm>>
    %dma_wait3A_404 = arith.constant 5 : i32
    %dma_wait3A_405 = arith.constant 0 : i32
    %dma_wait3A_406 = arith.constant 0 : i32
    %dma_wait3A_407 = tpu.memref_slice %arg4[%add3A, %dma_wait3A_404, %dma_wait3A_405, %dma_wait3A_406] : memref<32x20x80x128xf32, #tpu.memory_space<hbm>> -> memref<1x5x80x128xf32, #tpu.memory_space<hbm>>
    %dma_wait3A_408 = tpu.memref_squeeze %dma_wait3A_407 : memref<1x5x80x128xf32, #tpu.memory_space<hbm>> -> memref<5x80x128xf32, #tpu.memory_space<hbm>>
    tpu.wait_dma2 semaphore(%arg9 : memref<!tpu.dma_semaphore, #tpu.memory_space<semaphore_mem>>) src(%arg7 : memref<5x80x128xf32, #tpu.memory_space<vmem>>) dst(%dma_wait3A_408 : memref<5x80x128xf32, #tpu.memory_space<hbm>>)
    %dma_start3A_409 = arith.constant 15 : i32
    %dma_start3A_410 = arith.constant 0 : i32
    %dma_start3A_411 = arith.constant 0 : i32
    %dma_start3A_412 = arith.constant 0 : i32
    %dma_start3A_413 = tpu.memref_slice %arg7[%dma_start3A_410, %dma_start3A_411, %dma_start3A_412] : memref<5x80x128xf32, #tpu.memory_space<vmem>> -> memref<1x80x128xf32, #tpu.memory_space<vmem>>
    %dma_start3A_414 = tpu.memref_squeeze %dma_start3A_413 : memref<1x80x128xf32, #tpu.memory_space<vmem>> -> memref<80x128xf32, #tpu.memory_space<vmem>>
    %dma_start3A_415 = arith.constant 0 : i32
    %dma_start3A_416 = tpu.memref_slice %arg5[%dma_start3A_409, %dma_start3A_415] : memref<20x80xi32, #tpu.memory_space<vmem>> -> memref<1x80xi32, #tpu.memory_space<vmem>>
    %dma_start3A_417 = tpu.memref_squeeze %dma_start3A_416 : memref<1x80xi32, #tpu.memory_space<vmem>> -> memref<80xi32, #tpu.memory_space<vmem>>
    %dma_start3A_418 = arith.constant 0 : i32
    %dma_start3A_419 = arith.constant 0 : i32
    %dma_start3A_420 = tpu.memref_slice %arg2[%dma_start3A_418, %dma_start3A_419] : memref<507904x128xf32, #tpu.memory_space<hbm>> -> memref<507904x128xf32, #tpu.memory_space<hbm>>
    tpu.enqueue_indirect_dma source(%dma_start3A_420 : memref<507904x128xf32, #tpu.memory_space<hbm>>) target(%dma_start3A_414 : memref<80x128xf32, #tpu.memory_space<vmem>>) offsets(%dma_start3A_417 : memref<80xi32, #tpu.memory_space<vmem>>) semaphore(%arg8 : memref<!tpu.dma_semaphore, #tpu.memory_space<semaphore_mem>>)
    %dma_start3A_421 = arith.constant 16 : i32
    %dma_start3A_422 = arith.constant 1 : i32
    %dma_start3A_423 = arith.constant 0 : i32
    %dma_start3A_424 = arith.constant 0 : i32
    %dma_start3A_425 = tpu.memref_slice %arg7[%dma_start3A_422, %dma_start3A_423, %dma_start3A_424] : memref<5x80x128xf32, #tpu.memory_space<vmem>> -> memref<1x80x128xf32, #tpu.memory_space<vmem>>
    %dma_start3A_426 = tpu.memref_squeeze %dma_start3A_425 : memref<1x80x128xf32, #tpu.memory_space<vmem>> -> memref<80x128xf32, #tpu.memory_space<vmem>>
    %dma_start3A_427 = arith.constant 0 : i32
    %dma_start3A_428 = tpu.memref_slice %arg5[%dma_start3A_421, %dma_start3A_427] : memref<20x80xi32, #tpu.memory_space<vmem>> -> memref<1x80xi32, #tpu.memory_space<vmem>>
    %dma_start3A_429 = tpu.memref_squeeze %dma_start3A_428 : memref<1x80xi32, #tpu.memory_space<vmem>> -> memref<80xi32, #tpu.memory_space<vmem>>
    %dma_start3A_430 = arith.constant 0 : i32
    %dma_start3A_431 = arith.constant 0 : i32
    %dma_start3A_432 = tpu.memref_slice %arg2[%dma_start3A_430, %dma_start3A_431] : memref<507904x128xf32, #tpu.memory_space<hbm>> -> memref<507904x128xf32, #tpu.memory_space<hbm>>
    tpu.enqueue_indirect_dma source(%dma_start3A_432 : memref<507904x128xf32, #tpu.memory_space<hbm>>) target(%dma_start3A_426 : memref<80x128xf32, #tpu.memory_space<vmem>>) offsets(%dma_start3A_429 : memref<80xi32, #tpu.memory_space<vmem>>) semaphore(%arg8 : memref<!tpu.dma_semaphore, #tpu.memory_space<semaphore_mem>>)
    %dma_start3A_433 = arith.constant 17 : i32
    %dma_start3A_434 = arith.constant 2 : i32
    %dma_start3A_435 = arith.constant 0 : i32
    %dma_start3A_436 = arith.constant 0 : i32
    %dma_start3A_437 = tpu.memref_slice %arg7[%dma_start3A_434, %dma_start3A_435, %dma_start3A_436] : memref<5x80x128xf32, #tpu.memory_space<vmem>> -> memref<1x80x128xf32, #tpu.memory_space<vmem>>
    %dma_start3A_438 = tpu.memref_squeeze %dma_start3A_437 : memref<1x80x128xf32, #tpu.memory_space<vmem>> -> memref<80x128xf32, #tpu.memory_space<vmem>>
    %dma_start3A_439 = arith.constant 0 : i32
    %dma_start3A_440 = tpu.memref_slice %arg5[%dma_start3A_433, %dma_start3A_439] : memref<20x80xi32, #tpu.memory_space<vmem>> -> memref<1x80xi32, #tpu.memory_space<vmem>>
    %dma_start3A_441 = tpu.memref_squeeze %dma_start3A_440 : memref<1x80xi32, #tpu.memory_space<vmem>> -> memref<80xi32, #tpu.memory_space<vmem>>
    %dma_start3A_442 = arith.constant 0 : i32
    %dma_start3A_443 = arith.constant 0 : i32
    %dma_start3A_444 = tpu.memref_slice %arg2[%dma_start3A_442, %dma_start3A_443] : memref<507904x128xf32, #tpu.memory_space<hbm>> -> memref<507904x128xf32, #tpu.memory_space<hbm>>
    tpu.enqueue_indirect_dma source(%dma_start3A_444 : memref<507904x128xf32, #tpu.memory_space<hbm>>) target(%dma_start3A_438 : memref<80x128xf32, #tpu.memory_space<vmem>>) offsets(%dma_start3A_441 : memref<80xi32, #tpu.memory_space<vmem>>) semaphore(%arg8 : memref<!tpu.dma_semaphore, #tpu.memory_space<semaphore_mem>>)
    %dma_start3A_445 = arith.constant 18 : i32
    %dma_start3A_446 = arith.constant 3 : i32
    %dma_start3A_447 = arith.constant 0 : i32
    %dma_start3A_448 = arith.constant 0 : i32
    %dma_start3A_449 = tpu.memref_slice %arg7[%dma_start3A_446, %dma_start3A_447, %dma_start3A_448] : memref<5x80x128xf32, #tpu.memory_space<vmem>> -> memref<1x80x128xf32, #tpu.memory_space<vmem>>
    %dma_start3A_450 = tpu.memref_squeeze %dma_start3A_449 : memref<1x80x128xf32, #tpu.memory_space<vmem>> -> memref<80x128xf32, #tpu.memory_space<vmem>>
    %dma_start3A_451 = arith.constant 0 : i32
    %dma_start3A_452 = tpu.memref_slice %arg5[%dma_start3A_445, %dma_start3A_451] : memref<20x80xi32, #tpu.memory_space<vmem>> -> memref<1x80xi32, #tpu.memory_space<vmem>>
    %dma_start3A_453 = tpu.memref_squeeze %dma_start3A_452 : memref<1x80xi32, #tpu.memory_space<vmem>> -> memref<80xi32, #tpu.memory_space<vmem>>
    %dma_start3A_454 = arith.constant 0 : i32
    %dma_start3A_455 = arith.constant 0 : i32
    %dma_start3A_456 = tpu.memref_slice %arg2[%dma_start3A_454, %dma_start3A_455] : memref<507904x128xf32, #tpu.memory_space<hbm>> -> memref<507904x128xf32, #tpu.memory_space<hbm>>
    tpu.enqueue_indirect_dma source(%dma_start3A_456 : memref<507904x128xf32, #tpu.memory_space<hbm>>) target(%dma_start3A_450 : memref<80x128xf32, #tpu.memory_space<vmem>>) offsets(%dma_start3A_453 : memref<80xi32, #tpu.memory_space<vmem>>) semaphore(%arg8 : memref<!tpu.dma_semaphore, #tpu.memory_space<semaphore_mem>>)
    %dma_start3A_457 = arith.constant 19 : i32
    %dma_start3A_458 = arith.constant 4 : i32
    %dma_start3A_459 = arith.constant 0 : i32
    %dma_start3A_460 = arith.constant 0 : i32
    %dma_start3A_461 = tpu.memref_slice %arg7[%dma_start3A_458, %dma_start3A_459, %dma_start3A_460] : memref<5x80x128xf32, #tpu.memory_space<vmem>> -> memref<1x80x128xf32, #tpu.memory_space<vmem>>
    %dma_start3A_462 = tpu.memref_squeeze %dma_start3A_461 : memref<1x80x128xf32, #tpu.memory_space<vmem>> -> memref<80x128xf32, #tpu.memory_space<vmem>>
    %dma_start3A_463 = arith.constant 0 : i32
    %dma_start3A_464 = tpu.memref_slice %arg5[%dma_start3A_457, %dma_start3A_463] : memref<20x80xi32, #tpu.memory_space<vmem>> -> memref<1x80xi32, #tpu.memory_space<vmem>>
    %dma_start3A_465 = tpu.memref_squeeze %dma_start3A_464 : memref<1x80xi32, #tpu.memory_space<vmem>> -> memref<80xi32, #tpu.memory_space<vmem>>
    %dma_start3A_466 = arith.constant 0 : i32
    %dma_start3A_467 = arith.constant 0 : i32
    %dma_start3A_468 = tpu.memref_slice %arg2[%dma_start3A_466, %dma_start3A_467] : memref<507904x128xf32, #tpu.memory_space<hbm>> -> memref<507904x128xf32, #tpu.memory_space<hbm>>
    tpu.enqueue_indirect_dma source(%dma_start3A_468 : memref<507904x128xf32, #tpu.memory_space<hbm>>) target(%dma_start3A_462 : memref<80x128xf32, #tpu.memory_space<vmem>>) offsets(%dma_start3A_465 : memref<80xi32, #tpu.memory_space<vmem>>) semaphore(%arg8 : memref<!tpu.dma_semaphore, #tpu.memory_space<semaphore_mem>>)
    %dma_wait3A_469 = arith.constant 15 : i32
    %dma_wait3A_470 = arith.constant 0 : i32
    %dma_wait3A_471 = arith.constant 0 : i32
    %dma_wait3A_472 = arith.constant 0 : i32
    %dma_wait3A_473 = tpu.memref_slice %arg7[%dma_wait3A_470, %dma_wait3A_471, %dma_wait3A_472] : memref<5x80x128xf32, #tpu.memory_space<vmem>> -> memref<1x80x128xf32, #tpu.memory_space<vmem>>
    %dma_wait3A_474 = tpu.memref_squeeze %dma_wait3A_473 : memref<1x80x128xf32, #tpu.memory_space<vmem>> -> memref<80x128xf32, #tpu.memory_space<vmem>>
    %dma_wait3A_475 = arith.constant 0 : i32
    %dma_wait3A_476 = tpu.memref_slice %arg5[%dma_wait3A_469, %dma_wait3A_475] : memref<20x80xi32, #tpu.memory_space<vmem>> -> memref<1x80xi32, #tpu.memory_space<vmem>>
    %dma_wait3A_477 = tpu.memref_squeeze %dma_wait3A_476 : memref<1x80xi32, #tpu.memory_space<vmem>> -> memref<80xi32, #tpu.memory_space<vmem>>
    %dma_wait3A_478 = arith.constant 0 : i32
    %dma_wait3A_479 = arith.constant 0 : i32
    %dma_wait3A_480 = tpu.memref_slice %arg2[%dma_wait3A_478, %dma_wait3A_479] : memref<507904x128xf32, #tpu.memory_space<hbm>> -> memref<507904x128xf32, #tpu.memory_space<hbm>>
    tpu.wait_indirect_dma semaphore(%arg8 : memref<!tpu.dma_semaphore, #tpu.memory_space<semaphore_mem>>) src(%dma_wait3A_480 : memref<507904x128xf32, #tpu.memory_space<hbm>>) dst(%dma_wait3A_474 : memref<80x128xf32, #tpu.memory_space<vmem>>)
    %dma_wait3A_481 = arith.constant 16 : i32
    %dma_wait3A_482 = arith.constant 1 : i32
    %dma_wait3A_483 = arith.constant 0 : i32
    %dma_wait3A_484 = arith.constant 0 : i32
    %dma_wait3A_485 = tpu.memref_slice %arg7[%dma_wait3A_482, %dma_wait3A_483, %dma_wait3A_484] : memref<5x80x128xf32, #tpu.memory_space<vmem>> -> memref<1x80x128xf32, #tpu.memory_space<vmem>>
    %dma_wait3A_486 = tpu.memref_squeeze %dma_wait3A_485 : memref<1x80x128xf32, #tpu.memory_space<vmem>> -> memref<80x128xf32, #tpu.memory_space<vmem>>
    %dma_wait3A_487 = arith.constant 0 : i32
    %dma_wait3A_488 = tpu.memref_slice %arg5[%dma_wait3A_481, %dma_wait3A_487] : memref<20x80xi32, #tpu.memory_space<vmem>> -> memref<1x80xi32, #tpu.memory_space<vmem>>
    %dma_wait3A_489 = tpu.memref_squeeze %dma_wait3A_488 : memref<1x80xi32, #tpu.memory_space<vmem>> -> memref<80xi32, #tpu.memory_space<vmem>>
    %dma_wait3A_490 = arith.constant 0 : i32
    %dma_wait3A_491 = arith.constant 0 : i32
    %dma_wait3A_492 = tpu.memref_slice %arg2[%dma_wait3A_490, %dma_wait3A_491] : memref<507904x128xf32, #tpu.memory_space<hbm>> -> memref<507904x128xf32, #tpu.memory_space<hbm>>
    tpu.wait_indirect_dma semaphore(%arg8 : memref<!tpu.dma_semaphore, #tpu.memory_space<semaphore_mem>>) src(%dma_wait3A_492 : memref<507904x128xf32, #tpu.memory_space<hbm>>) dst(%dma_wait3A_486 : memref<80x128xf32, #tpu.memory_space<vmem>>)
    %dma_wait3A_493 = arith.constant 17 : i32
    %dma_wait3A_494 = arith.constant 2 : i32
    %dma_wait3A_495 = arith.constant 0 : i32
    %dma_wait3A_496 = arith.constant 0 : i32
    %dma_wait3A_497 = tpu.memref_slice %arg7[%dma_wait3A_494, %dma_wait3A_495, %dma_wait3A_496] : memref<5x80x128xf32, #tpu.memory_space<vmem>> -> memref<1x80x128xf32, #tpu.memory_space<vmem>>
    %dma_wait3A_498 = tpu.memref_squeeze %dma_wait3A_497 : memref<1x80x128xf32, #tpu.memory_space<vmem>> -> memref<80x128xf32, #tpu.memory_space<vmem>>
    %dma_wait3A_499 = arith.constant 0 : i32
    %dma_wait3A_500 = tpu.memref_slice %arg5[%dma_wait3A_493, %dma_wait3A_499] : memref<20x80xi32, #tpu.memory_space<vmem>> -> memref<1x80xi32, #tpu.memory_space<vmem>>
    %dma_wait3A_501 = tpu.memref_squeeze %dma_wait3A_500 : memref<1x80xi32, #tpu.memory_space<vmem>> -> memref<80xi32, #tpu.memory_space<vmem>>
    %dma_wait3A_502 = arith.constant 0 : i32
    %dma_wait3A_503 = arith.constant 0 : i32
    %dma_wait3A_504 = tpu.memref_slice %arg2[%dma_wait3A_502, %dma_wait3A_503] : memref<507904x128xf32, #tpu.memory_space<hbm>> -> memref<507904x128xf32, #tpu.memory_space<hbm>>
    tpu.wait_indirect_dma semaphore(%arg8 : memref<!tpu.dma_semaphore, #tpu.memory_space<semaphore_mem>>) src(%dma_wait3A_504 : memref<507904x128xf32, #tpu.memory_space<hbm>>) dst(%dma_wait3A_498 : memref<80x128xf32, #tpu.memory_space<vmem>>)
    %dma_wait3A_505 = arith.constant 18 : i32
    %dma_wait3A_506 = arith.constant 3 : i32
    %dma_wait3A_507 = arith.constant 0 : i32
    %dma_wait3A_508 = arith.constant 0 : i32
    %dma_wait3A_509 = tpu.memref_slice %arg7[%dma_wait3A_506, %dma_wait3A_507, %dma_wait3A_508] : memref<5x80x128xf32, #tpu.memory_space<vmem>> -> memref<1x80x128xf32, #tpu.memory_space<vmem>>
    %dma_wait3A_510 = tpu.memref_squeeze %dma_wait3A_509 : memref<1x80x128xf32, #tpu.memory_space<vmem>> -> memref<80x128xf32, #tpu.memory_space<vmem>>
    %dma_wait3A_511 = arith.constant 0 : i32
    %dma_wait3A_512 = tpu.memref_slice %arg5[%dma_wait3A_505, %dma_wait3A_511] : memref<20x80xi32, #tpu.memory_space<vmem>> -> memref<1x80xi32, #tpu.memory_space<vmem>>
    %dma_wait3A_513 = tpu.memref_squeeze %dma_wait3A_512 : memref<1x80xi32, #tpu.memory_space<vmem>> -> memref<80xi32, #tpu.memory_space<vmem>>
    %dma_wait3A_514 = arith.constant 0 : i32
    %dma_wait3A_515 = arith.constant 0 : i32
    %dma_wait3A_516 = tpu.memref_slice %arg2[%dma_wait3A_514, %dma_wait3A_515] : memref<507904x128xf32, #tpu.memory_space<hbm>> -> memref<507904x128xf32, #tpu.memory_space<hbm>>
    tpu.wait_indirect_dma semaphore(%arg8 : memref<!tpu.dma_semaphore, #tpu.memory_space<semaphore_mem>>) src(%dma_wait3A_516 : memref<507904x128xf32, #tpu.memory_space<hbm>>) dst(%dma_wait3A_510 : memref<80x128xf32, #tpu.memory_space<vmem>>)
    %dma_wait3A_517 = arith.constant 19 : i32
    %dma_wait3A_518 = arith.constant 4 : i32
    %dma_wait3A_519 = arith.constant 0 : i32
    %dma_wait3A_520 = arith.constant 0 : i32
    %dma_wait3A_521 = tpu.memref_slice %arg7[%dma_wait3A_518, %dma_wait3A_519, %dma_wait3A_520] : memref<5x80x128xf32, #tpu.memory_space<vmem>> -> memref<1x80x128xf32, #tpu.memory_space<vmem>>
    %dma_wait3A_522 = tpu.memref_squeeze %dma_wait3A_521 : memref<1x80x128xf32, #tpu.memory_space<vmem>> -> memref<80x128xf32, #tpu.memory_space<vmem>>
    %dma_wait3A_523 = arith.constant 0 : i32
    %dma_wait3A_524 = tpu.memref_slice %arg5[%dma_wait3A_517, %dma_wait3A_523] : memref<20x80xi32, #tpu.memory_space<vmem>> -> memref<1x80xi32, #tpu.memory_space<vmem>>
    %dma_wait3A_525 = tpu.memref_squeeze %dma_wait3A_524 : memref<1x80xi32, #tpu.memory_space<vmem>> -> memref<80xi32, #tpu.memory_space<vmem>>
    %dma_wait3A_526 = arith.constant 0 : i32
    %dma_wait3A_527 = arith.constant 0 : i32
    %dma_wait3A_528 = tpu.memref_slice %arg2[%dma_wait3A_526, %dma_wait3A_527] : memref<507904x128xf32, #tpu.memory_space<hbm>> -> memref<507904x128xf32, #tpu.memory_space<hbm>>
    tpu.wait_indirect_dma semaphore(%arg8 : memref<!tpu.dma_semaphore, #tpu.memory_space<semaphore_mem>>) src(%dma_wait3A_528 : memref<507904x128xf32, #tpu.memory_space<hbm>>) dst(%dma_wait3A_522 : memref<80x128xf32, #tpu.memory_space<vmem>>)
    %dma_start3A_529 = arith.constant 15 : i32
    %dma_start3A_530 = arith.constant 0 : i32
    %dma_start3A_531 = arith.constant 0 : i32
    %dma_start3A_532 = tpu.memref_slice %arg4[%add3A, %dma_start3A_529, %dma_start3A_530, %dma_start3A_531] : memref<32x20x80x128xf32, #tpu.memory_space<hbm>> -> memref<1x5x80x128xf32, #tpu.memory_space<hbm>>
    %dma_start3A_533 = tpu.memref_squeeze %dma_start3A_532 : memref<1x5x80x128xf32, #tpu.memory_space<hbm>> -> memref<5x80x128xf32, #tpu.memory_space<hbm>>
    %dma_start3A_534 = arith.constant 15 : i32
    %dma_start3A_535 = arith.constant 0 : i32
    %dma_start3A_536 = arith.constant 0 : i32
    %dma_start3A_537 = tpu.memref_slice %arg4[%add3A, %dma_start3A_534, %dma_start3A_535, %dma_start3A_536] : memref<32x20x80x128xf32, #tpu.memory_space<hbm>> -> memref<1x5x80x128xf32, #tpu.memory_space<hbm>>
    %dma_start3A_538 = tpu.memref_squeeze %dma_start3A_537 : memref<1x5x80x128xf32, #tpu.memory_space<hbm>> -> memref<5x80x128xf32, #tpu.memory_space<hbm>>
    tpu.enqueue_dma source(%arg7 : memref<5x80x128xf32, #tpu.memory_space<vmem>>) target(%dma_start3A_538 : memref<5x80x128xf32, #tpu.memory_space<hbm>>) target_semaphore(%arg9 : memref<!tpu.dma_semaphore, #tpu.memory_space<semaphore_mem>>)
    %dma_wait3A_539 = arith.constant 10 : i32
    %dma_wait3A_540 = arith.constant 0 : i32
    %dma_wait3A_541 = arith.constant 0 : i32
    %dma_wait3A_542 = tpu.memref_slice %arg4[%add3A, %dma_wait3A_539, %dma_wait3A_540, %dma_wait3A_541] : memref<32x20x80x128xf32, #tpu.memory_space<hbm>> -> memref<1x5x80x128xf32, #tpu.memory_space<hbm>>
    %dma_wait3A_543 = tpu.memref_squeeze %dma_wait3A_542 : memref<1x5x80x128xf32, #tpu.memory_space<hbm>> -> memref<5x80x128xf32, #tpu.memory_space<hbm>>
    %dma_wait3A_544 = arith.constant 10 : i32
    %dma_wait3A_545 = arith.constant 0 : i32
    %dma_wait3A_546 = arith.constant 0 : i32
    %dma_wait3A_547 = tpu.memref_slice %arg4[%add3A, %dma_wait3A_544, %dma_wait3A_545, %dma_wait3A_546] : memref<32x20x80x128xf32, #tpu.memory_space<hbm>> -> memref<1x5x80x128xf32, #tpu.memory_space<hbm>>
    %dma_wait3A_548 = tpu.memref_squeeze %dma_wait3A_547 : memref<1x5x80x128xf32, #tpu.memory_space<hbm>> -> memref<5x80x128xf32, #tpu.memory_space<hbm>>
    tpu.wait_dma2 semaphore(%arg9 : memref<!tpu.dma_semaphore, #tpu.memory_space<semaphore_mem>>) src(%arg6 : memref<5x80x128xf32, #tpu.memory_space<vmem>>) dst(%dma_wait3A_548 : memref<5x80x128xf32, #tpu.memory_space<hbm>>)
    %dma_wait3A_549 = arith.constant 15 : i32
    %dma_wait3A_550 = arith.constant 0 : i32
    %dma_wait3A_551 = arith.constant 0 : i32
    %dma_wait3A_552 = tpu.memref_slice %arg4[%add3A, %dma_wait3A_549, %dma_wait3A_550, %dma_wait3A_551] : memref<32x20x80x128xf32, #tpu.memory_space<hbm>> -> memref<1x5x80x128xf32, #tpu.memory_space<hbm>>
    %dma_wait3A_553 = tpu.memref_squeeze %dma_wait3A_552 : memref<1x5x80x128xf32, #tpu.memory_space<hbm>> -> memref<5x80x128xf32, #tpu.memory_space<hbm>>
    %dma_wait3A_554 = arith.constant 15 : i32
    %dma_wait3A_555 = arith.constant 0 : i32
    %dma_wait3A_556 = arith.constant 0 : i32
    %dma_wait3A_557 = tpu.memref_slice %arg4[%add3A, %dma_wait3A_554, %dma_wait3A_555, %dma_wait3A_556] : memref<32x20x80x128xf32, #tpu.memory_space<hbm>> -> memref<1x5x80x128xf32, #tpu.memory_space<hbm>>
    %dma_wait3A_558 = tpu.memref_squeeze %dma_wait3A_557 : memref<1x5x80x128xf32, #tpu.memory_space<hbm>> -> memref<5x80x128xf32, #tpu.memory_space<hbm>>
    tpu.wait_dma2 semaphore(%arg9 : memref<!tpu.dma_semaphore, #tpu.memory_space<semaphore_mem>>) src(%arg7 : memref<5x80x128xf32, #tpu.memory_space<vmem>>) dst(%dma_wait3A_558 : memref<5x80x128xf32, #tpu.memory_space<hbm>>)
    return
  }
}

module attributes {stable_mosaic.version = 14 : i64} {
  func.func @_pack_step(%arg0: i32, %arg1: memref<64x16384xf32, #tpu.memory_space<vmem>>, %arg2: memref<8192x128xf32, #tpu.memory_space<vmem>>) attributes {dimension_semantics = [#tpu.dimension_semantics<arbitrary>], iteration_bounds = array<i64: 62>, scalar_prefetch = 0 : i64, scratch_operands = 0 : i64, tpu.core_type = #tpu.core_type<tc>, window_params = [{transform_indices = @transform_0, window_bounds = array<i64: 64, 16384>}, {transform_indices = @transform_1, window_bounds = array<i64: 8192, 128>}]} {
    %get3A = arith.constant 0 : index
    %get3A_0 = arith.constant 0 : index
    %get3A_1 = vector.load %arg1[%get3A, %get3A_0] : memref<64x16384xf32, #tpu.memory_space<vmem>>, vector<64x16384xf32>
    %slice3A = vector.extract_strided_slice %get3A_1 {offsets = [0, 0], sizes = [64, 8192], strides = [1, 1]} : vector<64x16384xf32> to vector<64x8192xf32>
    %transpose3A = tpu.transpose %slice3A, [1, 0] : vector<64x8192xf32> -> vector<8192x64xf32>
    %swap3A = arith.constant 0 : index
    %swap3A_2 = arith.constant 0 : index
    %swap3A_3 = vector.load %arg2[%swap3A, %swap3A_2] : memref<8192x128xf32, #tpu.memory_space<vmem>>, vector<8192x64xf32>
    tpu.vector_store %arg2[%swap3A, %swap3A_2], %transpose3A {strides = array<i32>} : memref<8192x128xf32, #tpu.memory_space<vmem>>, vector<8192x64xf32>,
    %slice3A_4 = vector.extract_strided_slice %get3A_1 {offsets = [0, 8192], sizes = [64, 8192], strides = [1, 1]} : vector<64x16384xf32> to vector<64x8192xf32>
    %transpose3A_5 = tpu.transpose %slice3A_4, [1, 0] : vector<64x8192xf32> -> vector<8192x64xf32>
    %swap3A_6 = arith.constant 0 : index
    %swap3A_7 = arith.constant 64 : index
    %swap3A_8 = vector.load %arg2[%swap3A_6, %swap3A_7] : memref<8192x128xf32, #tpu.memory_space<vmem>>, vector<8192x64xf32>
    tpu.vector_store %arg2[%swap3A_6, %swap3A_7], %transpose3A_5 {strides = array<i32>} : memref<8192x128xf32, #tpu.memory_space<vmem>>, vector<8192x64xf32>,
    return
  }
  func.func @transform_0(%arg0: i32) -> (i32, i32) {
    %c0_i32 = arith.constant 0 : i32
    %c0_i32_0 = arith.constant 0 : i32
    return %c0_i32, %arg0 : i32, i32
  }
  func.func @transform_1(%arg0: i32) -> (i32, i32) {
    %c0_i32 = arith.constant 0 : i32
    %c0_i32_0 = arith.constant 0 : i32
    return %arg0, %c0_i32 : i32, i32
  }
}

module attributes {stable_mosaic.version = 14 : i64} {
  func.func @_gru_step(%arg0: i32, %arg1: memref<1x1024x128xf32, #tpu.memory_space<vmem>>, %arg2: memref<1x1024x1xi32, #tpu.memory_space<vmem>>, %arg3: memref<64x768xf32, #tpu.memory_space<vmem>>, %arg4: memref<256x768xf32, #tpu.memory_space<vmem>>, %arg5: memref<2x768xf32, #tpu.memory_space<vmem>>, %arg6: memref<1024x256xf32, #tpu.memory_space<vmem>>) attributes {dimension_semantics = [#tpu.dimension_semantics<arbitrary>], iteration_bounds = array<i64: 50>, scalar_prefetch = 0 : i64, scratch_operands = 0 : i64, tpu.core_type = #tpu.core_type<tc>, window_params = [{transform_indices = @transform_0, window_bounds = array<i64: 1, 1024, 128>}, {transform_indices = @transform_1, window_bounds = array<i64: 1, 1024, 1>}, {pipeline_mode = #tpu.pipeline_mode<synchronous>, transform_indices = @transform_2, window_bounds = array<i64: 64, 768>}, {pipeline_mode = #tpu.pipeline_mode<synchronous>, transform_indices = @transform_3, window_bounds = array<i64: 256, 768>}, {pipeline_mode = #tpu.pipeline_mode<synchronous>, transform_indices = @transform_4, window_bounds = array<i64: 2, 768>}, {pipeline_mode = #tpu.pipeline_mode<synchronous>, transform_indices = @transform_5, window_bounds = array<i64: 1024, 256>}]} {
    %eq3A = arith.constant 0 : i32
    %eq3A_0 = arith.cmpi eq, %arg0, %eq3A : i32
    %convert_element_type3A = arith.extui %eq3A_0 : i1 to i32
    %cond3A = arith.constant 0 : i32
    %cond3A_1 = arith.cmpi ne, %convert_element_type3A, %cond3A : i32
    scf.if %cond3A_1 {
      %broadcast_in_dim3A_62 = arith.constant 0.000000e+00 : f32
      %broadcast_in_dim3A_63 = vector.broadcast %broadcast_in_dim3A_62 : f32 to vector<1024x256xf32>
      %swap3A_64 = arith.constant 0 : index
      %swap3A_65 = arith.constant 0 : index
      %swap3A_66 = vector.load %arg6[%swap3A_64, %swap3A_65] : memref<1024x256xf32, #tpu.memory_space<vmem>>, vector<1024x256xf32>
      tpu.vector_store %arg6[%swap3A_64, %swap3A_65], %broadcast_in_dim3A_63 {strides = array<i32>} : memref<1024x256xf32, #tpu.memory_space<vmem>>, vector<1024x256xf32>,
    } else {
    }
    %get3A = arith.constant 0 : index
    %get3A_2 = arith.constant 0 : index
    %get3A_3 = vector.load %arg6[%get3A, %get3A_2] : memref<1024x256xf32, #tpu.memory_space<vmem>>, vector<1024x256xf32>
    %get3A_4 = arith.constant 0 : index
    %get3A_5 = arith.constant 0 : index
    %get3A_6 = arith.constant 0 : index
    %get3A_7 = vector.load %arg1[%get3A_4, %get3A_5, %get3A_6] : memref<1x1024x128xf32, #tpu.memory_space<vmem>>, vector<1x1024x128xf32>
    %get3A_8 = vector.shape_cast %get3A_7 : vector<1x1024x128xf32> to vector<1024x128xf32>
    %get3A_9 = arith.constant 0 : index
    %get3A_10 = arith.constant 0 : index
    %get3A_11 = arith.constant 0 : index
    %get3A_12 = vector.load %arg2[%get3A_9, %get3A_10, %get3A_11] : memref<1x1024x1xi32, #tpu.memory_space<vmem>>, vector<1x1024x1xi32>
    %get3A_13 = vector.shape_cast %get3A_12 : vector<1x1024x1xi32> to vector<1024x1xi32>
    %gt3A = arith.constant 0 : i32
    %gt3A_14 = vector.broadcast %gt3A : i32 to vector<1024x1xi32>
    %gt3A_15 = arith.cmpi sgt, %get3A_13, %gt3A_14 : vector<1024x1xi32>
    %slice3A = vector.extract_strided_slice %get3A_8 {offsets = [0, 64], sizes = [1024, 64], strides = [1, 1]} : vector<1024x128xf32> to vector<1024x64xf32>
    %slice3A_16 = vector.extract_strided_slice %get3A_8 {offsets = [0, 0], sizes = [1024, 64], strides = [1, 1]} : vector<1024x128xf32> to vector<1024x64xf32>
    %broadcast_in_dim3A = vector.shape_cast %gt3A_15 : vector<1024x1xi1> to vector<1024x1xi1>
    %broadcast_in_dim3A_17 = vector.broadcast %broadcast_in_dim3A : vector<1024x1xi1> to vector<1024x64xi1>
    %select_n3A = arith.select %broadcast_in_dim3A_17, %slice3A, %slice3A_16 : vector<1024x64xi1>, vector<1024x64xf32>
    %get3A_18 = arith.constant 0 : index
    %get3A_19 = arith.constant 0 : index
    %get3A_20 = vector.load %arg5[%get3A_18, %get3A_19] : memref<2x768xf32, #tpu.memory_space<vmem>>, vector<2x768xf32>
    %get3A_21 = arith.constant 0 : index
    %get3A_22 = arith.constant 0 : index
    %get3A_23 = vector.load %arg3[%get3A_21, %get3A_22] : memref<64x768xf32, #tpu.memory_space<vmem>>, vector<64x768xf32>
    %dot_general3A = arith.constant dense<0.000000e+00> : vector<1024x768xf32>
    %dot_general3A_24 = tpu.matmul %select_n3A, %get3A_23, %dot_general3A {dimension_numbers = #tpu.dot_dimension_numbers<[1], [0], [0], [1], [0, 0, 1, 1], [], []>, transpose_lhs_hint = false} : vector<1024x64xf32>, vector<64x768xf32>, vector<1024x768xf32> -> vector<1024x768xf32>
    %slice3A_25 = vector.extract_strided_slice %get3A_20 {offsets = [0, 0], sizes = [1, 768], strides = [1, 1]} : vector<2x768xf32> to vector<1x768xf32>
    %add3A = vector.broadcast %slice3A_25 : vector<1x768xf32> to vector<1024x768xf32>
    %add3A_26 = arith.addf %dot_general3A_24, %add3A : vector<1024x768xf32>
    %get3A_27 = arith.constant 0 : index
    %get3A_28 = arith.constant 0 : index
    %get3A_29 = vector.load %arg4[%get3A_27, %get3A_28] : memref<256x768xf32, #tpu.memory_space<vmem>>, vector<256x768xf32>
    %dot_general3A_30 = arith.constant dense<0.000000e+00> : vector<1024x768xf32>
    %dot_general3A_31 = tpu.matmul %get3A_3, %get3A_29, %dot_general3A_30 {dimension_numbers = #tpu.dot_dimension_numbers<[1], [0], [0], [1], [0, 0, 1, 1], [], []>, transpose_lhs_hint = false} : vector<1024x256xf32>, vector<256x768xf32>, vector<1024x768xf32> -> vector<1024x768xf32>
    %slice3A_32 = vector.extract_strided_slice %get3A_20 {offsets = [1, 0], sizes = [1, 768], strides = [1, 1]} : vector<2x768xf32> to vector<1x768xf32>
    %add3A_33 = vector.broadcast %slice3A_32 : vector<1x768xf32> to vector<1024x768xf32>
    %add3A_34 = arith.addf %dot_general3A_31, %add3A_33 : vector<1024x768xf32>
    %slice3A_35 = vector.extract_strided_slice %add3A_26 {offsets = [0, 0], sizes = [1024, 256], strides = [1, 1]} : vector<1024x768xf32> to vector<1024x256xf32>
    %slice3A_36 = vector.extract_strided_slice %add3A_26 {offsets = [0, 256], sizes = [1024, 256], strides = [1, 1]} : vector<1024x768xf32> to vector<1024x256xf32>
    %slice3A_37 = vector.extract_strided_slice %add3A_26 {offsets = [0, 512], sizes = [1024, 256], strides = [1, 1]} : vector<1024x768xf32> to vector<1024x256xf32>
    %slice3A_38 = vector.extract_strided_slice %add3A_34 {offsets = [0, 0], sizes = [1024, 256], strides = [1, 1]} : vector<1024x768xf32> to vector<1024x256xf32>
    %slice3A_39 = vector.extract_strided_slice %add3A_34 {offsets = [0, 256], sizes = [1024, 256], strides = [1, 1]} : vector<1024x768xf32> to vector<1024x256xf32>
    %slice3A_40 = vector.extract_strided_slice %add3A_34 {offsets = [0, 512], sizes = [1024, 256], strides = [1, 1]} : vector<1024x768xf32> to vector<1024x256xf32>
    %add3A_41 = arith.addf %slice3A_35, %slice3A_38 : vector<1024x256xf32>
    %logistic3A = arith.negf %add3A_41 : vector<1024x256xf32>
    %logistic3A_42 = math.exp %logistic3A : vector<1024x256xf32>
    %logistic3A_43 = arith.constant 1.000000e+00 : f32
    %logistic3A_44 = vector.broadcast %logistic3A_43 : f32 to vector<1024x256xf32>
    %logistic3A_45 = arith.addf %logistic3A_44, %logistic3A_42 : vector<1024x256xf32>
    %logistic3A_46 = arith.divf %logistic3A_44, %logistic3A_45 : vector<1024x256xf32>
    %add3A_47 = arith.addf %slice3A_36, %slice3A_39 : vector<1024x256xf32>
    %logistic3A_48 = arith.negf %add3A_47 : vector<1024x256xf32>
    %logistic3A_49 = math.exp %logistic3A_48 : vector<1024x256xf32>
    %logistic3A_50 = arith.constant 1.000000e+00 : f32
    %logistic3A_51 = vector.broadcast %logistic3A_50 : f32 to vector<1024x256xf32>
    %logistic3A_52 = arith.addf %logistic3A_51, %logistic3A_49 : vector<1024x256xf32>
    %logistic3A_53 = arith.divf %logistic3A_51, %logistic3A_52 : vector<1024x256xf32>
    %mul3A = arith.mulf %logistic3A_53, %slice3A_40 : vector<1024x256xf32>
    %add3A_54 = arith.addf %slice3A_37, %mul3A : vector<1024x256xf32>
    %tanh3A = math.tanh %add3A_54 : vector<1024x256xf32>
    %mul3A_55 = arith.mulf %logistic3A_46, %get3A_3 : vector<1024x256xf32>
    %sub3A = arith.constant 1.000000e+00 : f32
    %sub3A_56 = vector.broadcast %sub3A : f32 to vector<1024x256xf32>
    %sub3A_57 = arith.subf %sub3A_56, %logistic3A_46 : vector<1024x256xf32>
    %mul3A_58 = arith.mulf %sub3A_57, %tanh3A : vector<1024x256xf32>
    %add3A_59 = arith.addf %mul3A_55, %mul3A_58 : vector<1024x256xf32>
    %swap3A = arith.constant 0 : index
    %swap3A_60 = arith.constant 0 : index
    %swap3A_61 = vector.load %arg6[%swap3A, %swap3A_60] : memref<1024x256xf32, #tpu.memory_space<vmem>>, vector<1024x256xf32>
    tpu.vector_store %arg6[%swap3A, %swap3A_60], %add3A_59 {strides = array<i32>} : memref<1024x256xf32, #tpu.memory_space<vmem>>, vector<1024x256xf32>,
    return
  }
  func.func @transform_0(%arg0: i32) -> (i32, i32, i32) {
    %c0_i32 = arith.constant 0 : i32
    %c0_i32_0 = arith.constant 0 : i32
    %c0_i32_1 = arith.constant 0 : i32
    return %arg0, %c0_i32, %c0_i32_0 : i32, i32, i32
  }
  func.func @transform_1(%arg0: i32) -> (i32, i32, i32) {
    %c0_i32 = arith.constant 0 : i32
    %c0_i32_0 = arith.constant 0 : i32
    %c0_i32_1 = arith.constant 0 : i32
    return %arg0, %c0_i32, %c0_i32_0 : i32, i32, i32
  }
  func.func @transform_2(%arg0: i32) -> (i32, i32) {
    %c0_i32 = arith.constant 0 : i32
    %c0_i32_0 = arith.constant 0 : i32
    %c0_i32_1 = arith.constant 0 : i32
    return %c0_i32, %c0_i32_0 : i32, i32
  }
  func.func @transform_3(%arg0: i32) -> (i32, i32) {
    %c0_i32 = arith.constant 0 : i32
    %c0_i32_0 = arith.constant 0 : i32
    %c0_i32_1 = arith.constant 0 : i32
    return %c0_i32, %c0_i32_0 : i32, i32
  }
  func.func @transform_4(%arg0: i32) -> (i32, i32) {
    %c0_i32 = arith.constant 0 : i32
    %c0_i32_0 = arith.constant 0 : i32
    %c0_i32_1 = arith.constant 0 : i32
    return %c0_i32, %c0_i32_0 : i32, i32
  }
  func.func @transform_5(%arg0: i32) -> (i32, i32) {
    %c0_i32 = arith.constant 0 : i32
    %c0_i32_0 = arith.constant 0 : i32
    %c0_i32_1 = arith.constant 0 : i32
    return %c0_i32, %c0_i32_0 : i32, i32
  }
}

</mosaic_0001>

<sc_bundles>
// kernel: kernel.5.cloned.1.call-start
scs
__scs_entry_jumppad:
0x0: {  	(pc) =	sbr.rel $0x88, $3  }
0x1: {  	(tag) =	ssettag $0x0;
	lr =	simm.s32 $0x1  }
0x2: {  	[smem:$0x3F9C] =	sst lr;
	_ =	strace $0xD0000000  }
0x3: {  	_ = 	snop  }
0x4: {  	_ = 	snop  }
0x5: {  	_ = 	snop  }
0x6: {  	_ = 	snop  }
0x7: {  	_ = 	snop  }
__scs_overlays_trampoline_lowered:
0x8: {  	[smem:$0x3FAB] =	sst s0  }
0x9: {  	[smem:$0x3FAC] =	sst s1  }
0xa: {  	[smem:$0x3FAD] =	sst s2  }
0xb: {  	[smem:$0x3FAE] =	sst s3  }
0xc: {  	[smem:$0x3FAF] =	sst s4  }
0xd: {  	[smem:$0x3FB0] =	sst s5  }
0xe: {  	[smem:$0x3FB1] =	sst s6  }
0xf: {  	[smem:$0x3FB2] =	sst s7  }
0x10: {  	[smem:$0x3FB3] =	sst s8  }
0x11: {  	[smem:$0x3FB4] =	sst s9;
	s0 =	simm.s32 @!p0 $0x0  }
0x12: {  	s1 =	sld [smem:$0x3F9A];
	s0 =	simm.s32 @p0 $0x1  }
0x13: {  	[smem:$0x3FB5] =	sst s0;
	s0 =	simm.s32 @!p1 $0x0  }
0x14: {  	s2 =	sld [smem:$0x3F99];
	s0 =	simm.s32 @p1 $0x1  }
0x15: {  	[smem:$0x3FB6] =	sst s0;
	s0 =	simm.s32 @!p2 $0x0  }
0x16: {  	s3 =	sld [smem:$0x3FDB];
	s0 =	simm.s32 @p2 $0x1  }
0x17: {  	s4 =	simm.s32 $0x1BF5;
	[smem:$0x3FB8] =	sst s0  }
0x18: {  	s0 =	sld [smem:$0x3F9B];
	_ =	swait.ge [sflag:s4], $0x0  }
0x19: {  	s7 =	sld [smem:$0x3F9C]  }
0x1a: {  	s8 =	sadd.s32 $0xFFFFE003, lr  }
0x1b: {  	s9 =	sadd.s32 $0xFFFFFEF7, lr;
	s5 =	simm.s32 $0xFFFFFFFF;
	p2 =	slt.u32 s8, $0xFFFFF086  }
0x1c: {  	p1 =	slt.u32 s9, $0xF7A;
	s5 =	simm.s32 @!p2 $0x0  }
0x1d: {  	s5 =	simm.s32 @p1 $0x1;
	p0 =	seq.s32 s7, s2  }
0x1e: {  	s7 =	smul.u32 @!p0 $0xF7A, s2;
	p2 =	seq.s32 @!p0 s5, $0x0  }
0x1f: {  	s9 =	smul.u32 $0xF7A, s1;
	s8 =	simm.s32 @!p0 $0x1BF5;
	p2 =	por !p2, p0  }
0x20: {  	[sflag:s8] =	ssyncset.s32 @!p0 $0xFFFFF086;
	s6 =	sadd.s32 @!p0 s3, s7;
	s7 =	simm.s32 @!p0 $0x108  }
0x21: {  	s3 =	sadd.s32 s3, s9;
	s6 =	sadd.s32 @!p0 $0x88, s6;
	s7 =	simm.s32 @p2 $0x1082  }
0x22: {  	[simem:s7], [sflag:s8] =	dma.local @!p0 [hbm:s6], $0xF7A  }
0x23: {  	s9 =	sor.u32 $0xD0000000, s2;
	s6 =	simm.s32 $0x108;
	_ =	swait.ge @!p0 [sflag:s8], $0x0  }
0x24: {  	s3 =	sadd.s32 $0x88, s3;
	s6 =	simm.s32 @!p1 $0x1082;
	[sflag:s4] =	ssyncset.s32 $0xFFFFF086  }
0x25: {  	[simem:s6], [sflag:s4] =	dma.local [hbm:s3], $0xF7A  }
0x26: {  	[smem:$0x3F9C] =	sst s1;
	(tag) =	ssettag s2;
	_ =	strace s9  }
0x27: {  	s1 =	sld [smem:$0x3FAC]  }
0x28: {  	s2 =	sld [smem:$0x3FAD]  }
0x29: {  	s4 =	sld [smem:$0x3FAF]  }
0x2a: {  	p0 =	seq.s32 s5, $0x0;
	s5 =	sld [smem:$0x3FB0]  }
0x2b: {  	s6 =	sld [smem:$0x3FB1]  }
0x2c: {  	s7 =	sld [smem:$0x3FB2]  }
0x2d: {  	s3 =	simm.s32 $0x108;
	s8 =	sld [smem:$0x3FB3]  }
0x2e: {  	s3 =	simm.s32 @!p0 $0x1082;
	s9 =	sld [smem:$0x3FB4]  }
0x2f: {  	lr =	sadd.s32 s0, s3;
	s0 =	sld [smem:$0x3FAB]  }
0x30: {  	s3 =	sld [smem:$0x3FAE]  }
0x31: {  	[smem:$0x3FB7] =	sst s10  }
0x32: {  	s10 =	sld [smem:$0x3FB5];
	_ =	sdelay $0x3  }
0x33: {  	p0 =	seq.s32 s10, $0x1;
	s10 =	sld [smem:$0x3FB7];
	_ =	sdelay $0x3  }
0x34: {  	[smem:$0x3FB7] =	sst s10  }
0x35: {  	s10 =	sld [smem:$0x3FB6];
	_ =	sdelay $0x3  }
0x36: {  	p1 =	seq.s32 s10, $0x1;
	s10 =	sld [smem:$0x3FB7];
	_ =	sdelay $0x3  }
0x37: {  	[smem:$0x3FB7] =	sst s10  }
0x38: {  	s10 =	sld [smem:$0x3FB8]  }
0x39: {  	_ = 	snop;
	(pc) =	sbr.ind lr, $3  }
0x3a: {  	_ = 	snop  }
0x3b: {  	_ = 	snop  }
0x3c: {  	p2 =	seq.s32 s10, $0x1;
	s10 =	sld [smem:$0x3FB7]  }
0x3d: {  	_ =	shalt  }
0x3e: {  	_ =	shalt  }
0x3f: {  	_ =	shalt  }
0x40: {  	_ =	shalt  }
0x41: {  	_ =	shalt  }
0x42: {  	_ =	shalt  }
0x43: {  	_ =	shalt  }
0x44: {  	_ =	shalt  }
0x45: {  	_ =	shalt  }
0x46: {  	_ =	shalt  }
0x47: {  	_ =	shalt  }
0x48: {  	_ =	shalt  }
0x49: {  	_ =	shalt  }
0x4a: {  	_ =	shalt  }
0x4b: {  	_ =	shalt  }
0x4c: {  	_ =	shalt  }
0x4d: {  	_ =	shalt  }
0x4e: {  	_ =	shalt  }
0x4f: {  	_ =	shalt  }
0x50: {  	_ =	shalt  }
0x51: {  	_ =	shalt  }
0x52: {  	_ =	shalt  }
0x53: {  	_ =	shalt  }
0x54: {  	_ =	shalt  }
0x55: {  	_ =	shalt  }
0x56: {  	_ =	shalt  }
0x57: {  	_ =	shalt  }
0x58: {  	_ =	shalt  }
0x59: {  	_ =	shalt  }
0x5a: {  	_ =	shalt  }
0x5b: {  	_ =	shalt  }
0x5c: {  	_ =	shalt  }
0x5d: {  	_ =	shalt  }
0x5e: {  	_ =	shalt  }
0x5f: {  	_ =	shalt  }
0x60: {  	_ =	shalt  }
0x61: {  	_ =	shalt  }
0x62: {  	_ =	shalt  }
0x63: {  	_ =	shalt  }
0x64: {  	_ =	shalt  }
0x65: {  	_ =	shalt  }
0x66: {  	_ =	shalt  }
0x67: {  	_ =	shalt  }
0x68: {  	_ =	shalt  }
0x69: {  	_ =	shalt  }
0x6a: {  	_ =	shalt  }
0x6b: {  	_ =	shalt  }
0x6c: {  	_ =	shalt  }
0x6d: {  	_ =	shalt  }
0x6e: {  	_ =	shalt  }
0x6f: {  	_ =	shalt  }
0x70: {  	_ =	shalt  }
0x71: {  	_ =	shalt  }
0x72: {  	_ =	shalt  }
0x73: {  	_ =	shalt  }
0x74: {  	_ =	shalt  }
0x75: {  	_ =	shalt  }
0x76: {  	_ =	shalt  }
0x77: {  	_ =	shalt  }
0x78: {  	_ =	shalt  }
0x79: {  	_ =	shalt  }
0x7a: {  	_ =	shalt  }
0x7b: {  	_ =	shalt  }
0x7c: {  	_ =	shalt  }
0x7d: {  	_ =	shalt  }
0x7e: {  	_ =	shalt  }
0x7f: {  	_ =	shalt  }
0x80: {  	_ =	shalt  }
0x81: {  	_ =	shalt  }
0x82: {  	_ =	shalt  }
0x83: {  	_ =	shalt  }
0x84: {  	_ =	shalt  }
0x85: {  	_ =	shalt  }
0x86: {  	_ =	shalt  }
0x87: {  	_ =	shalt  }
.Lfunc_end0:
.L_simem_size_0:
called_computation_lowered:
.L_overlay_start_0:
0x88: {  	s2 =	sld [smem:$0x3FD9]  }
0x89: {  	s3 =	sld [smem:$0x3FFE];
	_ =	sdelay $0x1  }
0x8a: {  	s1 =	srdreg.scid  }
0x8b: {  	s0 =	sand.u32 $0x1, s1  }
0x8c: {  	s17 =	sshll.u32 s0, $0xA;
	s2 =	sadd.s32 s3, s2  }
0x8d: {  	s2 =	sadd.s32 s2, s17  }
0x8e: {  	[smem:$0x3FC3] =	sst s2  }
0x8f: {  	_ = 	snop  }
0x90: {  	s2 =	sld [smem:$0x3FD0];
	(tm) =	ssettm $0x1  }
0x91: {  	s18 =	sld [smem:$0x3FFB];
	_ =	sdelay $0x3  }
0x92: {  	_ =	strace s18  }
0x93: {  	s3 =	sld [smem:$0x3FFC];
	_ =	sdelay $0x3  }
0x94: {  	_ =	strace s3  }
0x95: {  	s3 =	sld [smem:$0x3FFD];
	_ =	sdelay $0x3  }
0x96: {  	_ =	strace s3  }
0x97: {  	_ =	strace $0x8FFFFFFF  }
0x98: {  	s19 =	sld [smem:$0x3FDB];
	_ =	sdelay $0x1  }
0x99: {  	s4 =	simm.s32 $_scs_section_size  }
0x9a: {  	s5 =	simm.s32 $_size__tile_overlayer_lowered;
	s6 =	simm.s32 $_tile_overlayer_lowered  }
0x9b: {  	s22 =	simm.s32 $0x1BFF;
	s21 =	sshll.u32 s6, $0x1;
	s3 =	sadd.s32 s4, s19  }
0x9c: {  	s7 =	simm.s32 $0x0;
	s20 =	sshll.u32 s5, $0x1;
	s5 =	sadd.s32 s21, s3  }
0x9d: {  	[timem:s7], [sflag:s22] =	dma.local [hbm:s5], s20  }
0x9e: {  	_ =	swait.ge [sflag:s22], s20  }
0x9f: {  	s4 =	ssub.s32 $0x0, s20;
	[sflag:s22] =	ssyncset.done $0x0  }
0xa0: {  	[sflag:s22] =	ssyncadd.s32 s4;
	_ =	sdelay $0x1  }
0xa1: {  	s23 =	simm.s32 $0x1B8B  }
0xa2: {  	_ =	swait.ge [sflag:s23], $0x1  }
0xa3: {  	[sflag:s23] =	ssyncset.done $0x0  }
0xa4: {  	s25 =	simm.s32 $0x1B8E;
	s24 =	sld [smem:$0x3FFE];
	[sflag:s23] =	ssyncadd.s32 $0xFFFFFFFF  }
0xa5: {  	s26 =	simm.s32 $execute0_lowered;
	[smem:$0x3FD2] =	sst s25  }
0xa6: {  	s5 =	sshll.u32 s26, $0x1;
	_ =	strace $0x80000046;
	[dreg:$0x1] =	wrdreg $0xFFFFFFFF  }
0xa7: {  	s28 =	simm.s32 $_size_execute0_lowered;
	s3 =	sadd.s32 s3, s5;
	[dreg:$0x0] =	wrdreg $0x0  }
0xa8: {  	s5 =	sshll.u32 s28, $0x1;
	[dreg:$0x2] =	wrdreg s3  }
0xa9: {  	[dreg:$0x3] =	wrdreg s5  }
0xaa: {  	[dreg:$0x4] =	wrdreg $0xC0  }
0xab: {  	_ =	task [dreg:s7], $0x5FFFF  }
0xac: {  	[dreg:$0x1] =	wrdreg $0xFFFFFFFF  }
0xad: {  	[dreg:$0x0] =	wrdreg $0x60  }
0xae: {  	[dreg:$0x2] =	wrdreg s24  }
0xaf: {  	[dreg:$0x3] =	wrdreg s2  }
0xb0: {  	[dreg:$0x4] =	wrdreg $0x9  }
0xb1: {  	_ =	task.clear_ibuf [dreg:s7], $0x5FFFF;
	_ =	strace $0x90000046  }
0xb2: {  	s29 =	simm.s32 $0x9;
	_ =	strace $0x80000048  }
0xb3: {  	_ =	swait.ge [sflag:s29], $0x1  }
0xb4: {  	[sflag:s29] =	ssyncadd.s32 $0xFFFFFFFF  }
0xb5: {  	_ =	strace $0x90000048  }
0xb6: {  	_ =	sfence  }
0xb7: {  	s30 =	sld [smem:$0x0];
	_ =	sdelay $0x2  }
0xb8: {  	s31 =	sshll.u32 s1, $0xD;
	s1 =	sshrl.u32 s1, $0x2  }
0xb9: {  	s3 =	sand.u32 $0x4000, s31;
	s1 =	sadd.s32 s1, s30  }
0xba: {  	s0 =	sor.u32 s3, s0;
	s1 =	sshll.u32 s1, $0x11  }
0xbb: {  	s0 =	sor.u32 s1, s0  }
0xbc: {  	s0 =	sadd.s32 $0x8F2B, s0  }
0xbd: {  	[sflag:s0] =	ssyncadd.remote.s32 $0x1  }
0xbe: {  	_ =	sfence.sel $0xFFFF  }
0xbf: {  	[dreg:$0x0] =	wrdreg $0xFFFFFFFF;
	(pc) =	sbr.abs _section_cstart, $3  }
0xc0: {  	[dreg:$0x1] =	wrdreg $0xFFFFFFFF  }
0xc1: {  	_ =	task.clear_ibuf [dreg:s7], $0x2FFFF;
	_ =	strace $0x9FFFFFFF  }
0xc2: {  	(tm) =	ssettm $0x7FFFFFFF  }
0xc3: {  	_ =	shalt  }
tec
execute0_lowered:
.L_overlay_start_1:
0x0: {  	(tag) =	ssettag $0x1  }
0x1: {  	s0 =	srdreg.scid;
	s3 =	rddreg [dreg:$0x0]  }
0x2: {  	s17 =	stileid.u32;
	s4 =	rddreg [dreg:$0x1]  }
0x3: {  	s2 =	simm.s32 $0x0;
	s31 =	simm.s32 $0x3;
	s6 =	simm.s32 $0x50  }
0x4: {  	s8 =	simm.s32 $0x640;
	s13 =	simm.s32 $0x2E40;
	s22 =	simm.s32 $0xA0  }
0x5: {  	s14 =	simm.s32 $0x5640;
	s23 =	simm.s32 $0xF0;
	s15 =	simm.s32 $0x7E40  }
0x6: {  	s24 =	simm.s32 $0x140;
	s25 =	simm.s32 $0x190;
	s26 =	simm.s32 $0x1E0  }
0x7: {  	s9 =	simm.s32 $0xF640;
	s10 =	simm.s32 $0x11E40;
	s30 =	simm.s32 $0x280  }
0x8: {  	s11 =	simm.s32 $0x14640;
	s29 =	simm.s32 $0x2D0;
	[smem:$0x7FF] =	sst s2  }
0x9: {  	s12 =	simm.s32 $0x16E40;
	_ =	strace $0x80000047;
	[dreg:$0x8] =	wrdreg s22  }
0xa: {  	s7 =	simm.s32 $0x2;
	p0 =	por $0x0, $0x0;
	[dreg:$0x9] =	wrdreg s23  }
0xb: {  	s0 =	sand.u32 $0x1, s0;
	s1 =	sshll.u32 s17, $0x1;
	[dreg:$0xa] =	wrdreg s24  }
0xc: {  	s28 =	simm.s32 $0x460;
	s1 =	sor.u32 s0, s1;
	[dreg:$0xb] =	wrdreg s25  }
0xd: {  	s0 =	ssub.s32 $0x2, s0;
	[dreg:$0xc] =	wrdreg s26;
	s23 =	simm.s32 $0x320  }
0xe: {  	s24 =	simm.s32 $0x370;
	s25 =	simm.s32 $0x3C0;
	s5 =	smul.u32 $0x32000, s1  }
0xf: {  	s26 =	simm.s32 $0x410;
	s1 =	smul.u32 $0xC8, s1;
	s20 =	sshrl.u32 s0, $0x1  }
0x10: {  	s22 =	simm.s32 $0x5F0;
	s0 =	ssub.s32 s0, s20;
	s20 =	simm.s32 $0x550  }
0x11: {  	s5 =	sshrl.u32 s5, $0x3;
	s1 =	sadd.s32 s4, s1;
	s0 =	smax.u32 s0, $0x1  }
0x12: {  	s5 =	sadd.s32 s5, s3;
	[dreg:$0x3] =	wrdreg s1;
	p1 =	sne.s32 s0, $0x1  }
0x13: {  	s1 =	sadd.s32 $0xFFFFFFFF, s0;
	s16 =	sadd.s32 $0x7C0E00, s5;
	s0 =	rddreg [dreg:$0x3]  }
.Ltmp0:
0x14: {  	s18 =	sadd.s32 $0x7C2700, s5;
	[dreg:$0x4] =	wrdreg s16;
	(pc) =	sbr.rel @!p1 .LBB2_1-.Ltmp0, $4  }
0x15: {  	s4 =	simm.s32 $0x1;
	s19 =	sadd.s32 $0x7C4000, s5;
	[dreg:$0x5] =	wrdreg s18  }
0x16: {  	s3 =	sadd.s32 $0xE00, s3;
	s21 =	sadd.s32 $0x7C5900, s5;
	[dreg:$0x6] =	wrdreg s19  }
0x17: {  	s5 =	simm.s32 $0xCE40;
	[dreg:$0x7] =	wrdreg s21;
	s16 =	simm.s32 $0xA640  }
0x18: {  	s18 =	simm.s32 $0x4B0;
	s19 =	simm.s32 $0x500;
	s21 =	simm.s32 $0x5A0  }
0x19: {  	[tilespmem:s2], [sflag:$0x3] =	stream.linear.gather [hbm4b:s0+s2], $0x640, $0x38;
	[tilespmem:$0x19640] =	vst v63  }
0x1a: {  	_ =	swait.ge [sflag:s31], $0x640  }
0x1b: {  	[sflag:s31] =	ssyncset.done $0x0  }
0x1c: {  	[sflag:s31] =	ssyncadd.s32 $0xFFFFF9C0  }
0x1d: {  	[tilespmem:s8], [sflag:$0x1] =	stream.indirect.gather [hbm4b:s3+s6], $0x80, s2, s6, $0xb8;
	[tilespmem:$0x19640] =	vst v63  }
0x1e: {  	_ = 	snop  }
0x1f: {  	[tilespmem:s13], [sflag:$0x1] =	stream.indirect.gather [hbm4b:s3+s6], $0x80, s6, s6, $0xb8;
	[tilespmem:$0x19640] =	vst v63  }
0x20: {  	s0 =	rddreg [dreg:$0x8]  }
0x21: {  	[tilespmem:s14], [sflag:$0x1] =	stream.indirect.gather [hbm4b:s3+s6], $0x80, s0, s6, $0xb8;
	[tilespmem:$0x19640] =	vst v63  }
0x22: {  	s17 =	smov.u32 s1;
	s1 =	rddreg [dreg:$0x9]  }
0x23: {  	[tilespmem:s15], [sflag:$0x1] =	stream.indirect.gather [hbm4b:s3+s6], $0x80, s1, s6, $0xb8;
	[tilespmem:$0x19640] =	vst v63  }
0x24: {  	s0 =	rddreg [dreg:$0xa]  }
0x25: {  	[tilespmem:s16], [sflag:$0x1] =	stream.indirect.gather [hbm4b:s3+s6], $0x80, s0, s6, $0xb8;
	[tilespmem:$0x19640] =	vst v63  }
0x26: {  	_ =	swait.ge [sflag:s4], $0x2800  }
0x27: {  	[sflag:s4] =	ssyncset.done $0x0  }
0x28: {  	[sflag:s4] =	ssyncadd.s32 $0xFFFFD800  }
0x29: {  	_ =	swait.ge [sflag:s4], $0x2800  }
0x2a: {  	[sflag:s4] =	ssyncset.done $0x0  }
0x2b: {  	[sflag:s4] =	ssyncadd.s32 $0xFFFFD800  }
0x2c: {  	_ =	swait.ge [sflag:s4], $0x2800  }
0x2d: {  	[sflag:s4] =	ssyncset.done $0x0  }
0x2e: {  	[sflag:s4] =	ssyncadd.s32 $0xFFFFD800  }
0x2f: {  	_ =	swait.ge [sflag:s4], $0x2800  }
0x30: {  	[sflag:s4] =	ssyncset.done $0x0  }
0x31: {  	[sflag:s4] =	ssyncadd.s32 $0xFFFFD800  }
0x32: {  	_ =	swait.ge [sflag:s4], $0x2800  }
0x33: {  	[sflag:s4] =	ssyncset.done $0x0  }
0x34: {  	s0 =	rddreg [dreg:$0x4];
	[sflag:s4] =	ssyncadd.s32 $0xFFFFD800  }
0x35: {  	[hbm4b:s0+s2] =	stream.linear.scatter [tilespmem:s8], [sflag:$0x2], $0xC800, $0x38;
	[tilespmem:$0x19640] =	vst v63  }
0x36: {  	s1 =	rddreg [dreg:$0xb]  }
0x37: {  	[tilespmem:s5], [sflag:$0x1] =	stream.indirect.gather [hbm4b:s3+s6], $0x80, s1, s6, $0xb8;
	[tilespmem:$0x19640] =	vst v63  }
0x38: {  	s0 =	rddreg [dreg:$0xc]  }
0x39: {  	[tilespmem:s9], [sflag:$0x1] =	stream.indirect.gather [hbm4b:s3+s6], $0x80, s0, s6, $0xb8;
	[tilespmem:$0x19640] =	vst v63  }
0x3a: {  	s1 =	simm.s32 $0x230  }
0x3b: {  	[tilespmem:s10], [sflag:$0x1] =	stream.indirect.gather [hbm4b:s3+s6], $0x80, s1, s6, $0xb8;
	[tilespmem:$0x19640] =	vst v63  }
0x3c: {  	_ = 	snop  }
0x3d: {  	[tilespmem:s11], [sflag:$0x1] =	stream.indirect.gather [hbm4b:s3+s6], $0x80, s30, s6, $0xb8;
	[tilespmem:$0x19640] =	vst v63  }
0x3e: {  	_ = 	snop  }
0x3f: {  	[tilespmem:s12], [sflag:$0x1] =	stream.indirect.gather [hbm4b:s3+s6], $0x80, s29, s6, $0xb8;
	[tilespmem:$0x19640] =	vst v63  }
0x40: {  	_ =	swait.ge [sflag:s4], $0x2800  }
0x41: {  	[sflag:s4] =	ssyncset.done $0x0  }
0x42: {  	[sflag:s4] =	ssyncadd.s32 $0xFFFFD800  }
0x43: {  	_ =	swait.ge [sflag:s4], $0x2800  }
0x44: {  	[sflag:s4] =	ssyncset.done $0x0  }
0x45: {  	[sflag:s4] =	ssyncadd.s32 $0xFFFFD800  }
0x46: {  	_ =	swait.ge [sflag:s4], $0x2800  }
0x47: {  	[sflag:s4] =	ssyncset.done $0x0  }
0x48: {  	[sflag:s4] =	ssyncadd.s32 $0xFFFFD800  }
0x49: {  	_ =	swait.ge [sflag:s4], $0x2800  }
0x4a: {  	[sflag:s4] =	ssyncset.done $0x0  }
0x4b: {  	[sflag:s4] =	ssyncadd.s32 $0xFFFFD800  }
0x4c: {  	_ =	swait.ge [sflag:s4], $0x2800  }
0x4d: {  	[sflag:s4] =	ssyncset.done $0x0  }
0x4e: {  	s1 =	rddreg [dreg:$0x5];
	[sflag:s4] =	ssyncadd.s32 $0xFFFFD800  }
0x4f: {  	[hbm4b:s1+s2] =	stream.linear.scatter [tilespmem:s5], [sflag:$0x2], $0xC800, $0x38;
	[tilespmem:$0x19640] =	vst v63  }
0x50: {  	_ =	swait.ge [sflag:s7], $0xC800  }
0x51: {  	[sflag:s7] =	ssyncset.done $0x0  }
0x52: {  	[sflag:s7] =	ssyncadd.s32 $0xFFFF3800  }
0x53: {  	[tilespmem:s8], [sflag:$0x1] =	stream.indirect.gather [hbm4b:s3+s6], $0x80, s23, s6, $0xb8;
	[tilespmem:$0x19640] =	vst v63  }
0x54: {  	_ = 	snop  }
0x55: {  	[tilespmem:s13], [sflag:$0x1] =	stream.indirect.gather [hbm4b:s3+s6], $0x80, s24, s6, $0xb8;
	[tilespmem:$0x19640] =	vst v63  }
0x56: {  	_ = 	snop  }
0x57: {  	[tilespmem:s14], [sflag:$0x1] =	stream.indirect.gather [hbm4b:s3+s6], $0x80, s25, s6, $0xb8;
	[tilespmem:$0x19640] =	vst v63  }
0x58: {  	_ = 	snop  }
0x59: {  	[tilespmem:s15], [sflag:$0x1] =	stream.indirect.gather [hbm4b:s3+s6], $0x80, s26, s6, $0xb8;
	[tilespmem:$0x19640] =	vst v63  }
0x5a: {  	_ = 	snop  }
0x5b: {  	[tilespmem:s16], [sflag:$0x1] =	stream.indirect.gather [hbm4b:s3+s6], $0x80, s28, s6, $0xb8;
	[tilespmem:$0x19640] =	vst v63  }
0x5c: {  	_ =	swait.ge [sflag:s4], $0x2800  }
0x5d: {  	[sflag:s4] =	ssyncset.done $0x0  }
0x5e: {  	[sflag:s4] =	ssyncadd.s32 $0xFFFFD800  }
0x5f: {  	_ =	swait.ge [sflag:s4], $0x2800  }
0x60: {  	[sflag:s4] =	ssyncset.done $0x0  }
0x61: {  	[sflag:s4] =	ssyncadd.s32 $0xFFFFD800  }
0x62: {  	_ =	swait.ge [sflag:s4], $0x2800  }
0x63: {  	[sflag:s4] =	ssyncset.done $0x0  }
0x64: {  	[sflag:s4] =	ssyncadd.s32 $0xFFFFD800  }
0x65: {  	_ =	swait.ge [sflag:s4], $0x2800  }
0x66: {  	[sflag:s4] =	ssyncset.done $0x0  }
0x67: {  	[sflag:s4] =	ssyncadd.s32 $0xFFFFD800  }
0x68: {  	_ =	swait.ge [sflag:s4], $0x2800  }
0x69: {  	[sflag:s4] =	ssyncset.done $0x0  }
0x6a: {  	s1 =	rddreg [dreg:$0x6];
	[sflag:s4] =	ssyncadd.s32 $0xFFFFD800  }
0x6b: {  	[hbm4b:s1+s2] =	stream.linear.scatter [tilespmem:s8], [sflag:$0x2], $0xC800, $0x38;
	[tilespmem:$0x19640] =	vst v63  }
0x6c: {  	_ =	swait.ge [sflag:s7], $0xC800  }
0x6d: {  	[sflag:s7] =	ssyncset.done $0x0  }
0x6e: {  	[sflag:s7] =	ssyncadd.s32 $0xFFFF3800  }
0x6f: {  	[tilespmem:s5], [sflag:$0x1] =	stream.indirect.gather [hbm4b:s3+s6], $0x80, s18, s6, $0xb8;
	[tilespmem:$0x19640] =	vst v63  }
0x70: {  	_ = 	snop  }
0x71: {  	[tilespmem:s9], [sflag:$0x1] =	stream.indirect.gather [hbm4b:s3+s6], $0x80, s19, s6, $0xb8;
	[tilespmem:$0x19640] =	vst v63  }
0x72: {  	_ = 	snop  }
0x73: {  	[tilespmem:s10], [sflag:$0x1] =	stream.indirect.gather [hbm4b:s3+s6], $0x80, s20, s6, $0xb8;
	[tilespmem:$0x19640] =	vst v63  }
0x74: {  	_ = 	snop  }
0x75: {  	[tilespmem:s11], [sflag:$0x1] =	stream.indirect.gather [hbm4b:s3+s6], $0x80, s21, s6, $0xb8;
	[tilespmem:$0x19640] =	vst v63  }
0x76: {  	_ = 	snop  }
0x77: {  	[tilespmem:s12], [sflag:$0x1] =	stream.indirect.gather [hbm4b:s3+s6], $0x80, s22, s6, $0xb8;
	[tilespmem:$0x19640] =	vst v63  }
0x78: {  	_ =	swait.ge [sflag:s4], $0x2800  }
0x79: {  	[sflag:s4] =	ssyncset.done $0x0  }
0x7a: {  	[sflag:s4] =	ssyncadd.s32 $0xFFFFD800  }
0x7b: {  	_ =	swait.ge [sflag:s4], $0x2800  }
0x7c: {  	[sflag:s4] =	ssyncset.done $0x0  }
0x7d: {  	[sflag:s4] =	ssyncadd.s32 $0xFFFFD800  }
0x7e: {  	_ =	swait.ge [sflag:s4], $0x2800  }
0x7f: {  	[sflag:s4] =	ssyncset.done $0x0  }
0x80: {  	[sflag:s4] =	ssyncadd.s32 $0xFFFFD800  }
0x81: {  	_ =	swait.ge [sflag:s4], $0x2800  }
0x82: {  	[sflag:s4] =	ssyncset.done $0x0  }
0x83: {  	[sflag:s4] =	ssyncadd.s32 $0xFFFFD800  }
0x84: {  	_ =	swait.ge [sflag:s4], $0x2800  }
0x85: {  	[sflag:s4] =	ssyncset.done $0x0  }
0x86: {  	p1 =	sne.s32 s17, $0x1;
	s1 =	rddreg [dreg:$0x7];
	[sflag:s4] =	ssyncadd.s32 $0xFFFFD800  }
0x87: {  	[hbm4b:s1+s2] =	stream.linear.scatter [tilespmem:s5], [sflag:$0x2], $0xC800, $0x38;
	[tilespmem:$0x19640] =	vst v63  }
.Ltmp1:
0x88: {  	_ =	swait.ge [sflag:s7], $0xC800;
	(pc) =	sbr.rel @!p1 .LBB2_3-.Ltmp1, $4  }
0x89: {  	[sflag:s7] =	ssyncset.done $0x0  }
0x8a: {  	[sflag:s7] =	ssyncadd.s32 $0xFFFF3800  }
0x8b: {  	p0 =	por $0x1, $0x1;
	_ =	swait.ge [sflag:s7], $0xC800  }
0x8c: {  	s1 =	sadd.s32 $0xFFFFFFFF, s17;
	s0 =	rddreg [dreg:$0x3];
	[sflag:s7] =	ssyncset.done $0x0  }
.LBB2_4:
0x8d: {  	[sflag:s7] =	ssyncadd.s32 $0xFFFF3800  }
0x8e: {  	[tilespmem:s2], [sflag:$0x3] =	stream.linear.gather [hbm4b:s0+s2], $0x640, $0x38;
	[tilespmem:$0x19640] =	vst v63  }
0x8f: {  	_ =	swait.ge [sflag:s31], $0x640  }
0x90: {  	[sflag:s31] =	ssyncset.done $0x0  }
0x91: {  	[sflag:s31] =	ssyncadd.s32 $0xFFFFF9C0  }
0x92: {  	[tilespmem:s8], [sflag:$0x1] =	stream.indirect.gather [hbm4b:s3+s6], $0x80, s2, s6, $0xb8;
	[tilespmem:$0x19640] =	vst v63  }
0x93: {  	_ = 	snop  }
0x94: {  	[tilespmem:s13], [sflag:$0x1] =	stream.indirect.gather [hbm4b:s3+s6], $0x80, s6, s6, $0xb8;
	[tilespmem:$0x19640] =	vst v63  }
0x95: {  	s0 =	rddreg [dreg:$0x8]  }
0x96: {  	[tilespmem:s14], [sflag:$0x1] =	stream.indirect.gather [hbm4b:s3+s6], $0x80, s0, s6, $0xb8;
	[tilespmem:$0x19640] =	vst v63  }
0x97: {  	s17 =	rddreg [dreg:$0x9]  }
0x98: {  	[tilespmem:s15], [sflag:$0x1] =	stream.indirect.gather [hbm4b:s3+s6], $0x80, s17, s6, $0xb8;
	[tilespmem:$0x19640] =	vst v63  }
0x99: {  	s0 =	rddreg [dreg:$0xa]  }
0x9a: {  	[tilespmem:s16], [sflag:$0x1] =	stream.indirect.gather [hbm4b:s3+s6], $0x80, s0, s6, $0xb8;
	[tilespmem:$0x19640] =	vst v63  }
0x9b: {  	_ =	swait.ge [sflag:s4], $0x2800  }
0x9c: {  	[sflag:s4] =	ssyncset.done $0x0  }
0x9d: {  	[sflag:s4] =	ssyncadd.s32 $0xFFFFD800  }
0x9e: {  	_ =	swait.ge [sflag:s4], $0x2800  }
0x9f: {  	[sflag:s4] =	ssyncset.done $0x0  }
0xa0: {  	[sflag:s4] =	ssyncadd.s32 $0xFFFFD800  }
0xa1: {  	_ =	swait.ge [sflag:s4], $0x2800  }
0xa2: {  	[sflag:s4] =	ssyncset.done $0x0  }
0xa3: {  	[sflag:s4] =	ssyncadd.s32 $0xFFFFD800  }
0xa4: {  	_ =	swait.ge [sflag:s4], $0x2800  }
0xa5: {  	[sflag:s4] =	ssyncset.done $0x0  }
0xa6: {  	[sflag:s4] =	ssyncadd.s32 $0xFFFFD800  }
0xa7: {  	_ =	swait.ge [sflag:s4], $0x2800  }
0xa8: {  	[sflag:s4] =	ssyncset.done $0x0  }
0xa9: {  	s0 =	rddreg [dreg:$0x4];
	[sflag:s4] =	ssyncadd.s32 $0xFFFFD800  }
0xaa: {  	[hbm4b:s0+s2] =	stream.linear.scatter [tilespmem:s8], [sflag:$0x2], $0xC800, $0x38;
	[tilespmem:$0x19640] =	vst v63  }
0xab: {  	s17 =	rddreg [dreg:$0xb]  }
0xac: {  	[tilespmem:s5], [sflag:$0x1] =	stream.indirect.gather [hbm4b:s3+s6], $0x80, s17, s6, $0xb8;
	[tilespmem:$0x19640] =	vst v63  }
0xad: {  	s0 =	rddreg [dreg:$0xc]  }
0xae: {  	[tilespmem:s9], [sflag:$0x1] =	stream.indirect.gather [hbm4b:s3+s6], $0x80, s0, s6, $0xb8;
	[tilespmem:$0x19640] =	vst v63  }
0xaf: {  	s17 =	simm.s32 $0x230  }
0xb0: {  	[tilespmem:s10], [sflag:$0x1] =	stream.indirect.gather [hbm4b:s3+s6], $0x80, s17, s6, $0xb8;
	[tilespmem:$0x19640] =	vst v63  }
0xb1: {  	_ = 	snop  }
0xb2: {  	[tilespmem:s11], [sflag:$0x1] =	stream.indirect.gather [hbm4b:s3+s6], $0x80, s30, s6, $0xb8;
	[tilespmem:$0x19640] =	vst v63  }
0xb3: {  	_ = 	snop  }
0xb4: {  	[tilespmem:s12], [sflag:$0x1] =	stream.indirect.gather [hbm4b:s3+s6], $0x80, s29, s6, $0xb8;
	[tilespmem:$0x19640] =	vst v63  }
0xb5: {  	_ =	swait.ge [sflag:s4], $0x2800  }
0xb6: {  	[sflag:s4] =	ssyncset.done $0x0  }
0xb7: {  	[sflag:s4] =	ssyncadd.s32 $0xFFFFD800  }
0xb8: {  	_ =	swait.ge [sflag:s4], $0x2800  }
0xb9: {  	[sflag:s4] =	ssyncset.done $0x0  }
0xba: {  	[sflag:s4] =	ssyncadd.s32 $0xFFFFD800  }
0xbb: {  	_ =	swait.ge [sflag:s4], $0x2800  }
0xbc: {  	[sflag:s4] =	ssyncset.done $0x0  }
0xbd: {  	[sflag:s4] =	ssyncadd.s32 $0xFFFFD800  }
0xbe: {  	_ =	swait.ge [sflag:s4], $0x2800  }
0xbf: {  	[sflag:s4] =	ssyncset.done $0x0  }
0xc0: {  	[sflag:s4] =	ssyncadd.s32 $0xFFFFD800  }
0xc1: {  	_ =	swait.ge [sflag:s4], $0x2800  }
0xc2: {  	[sflag:s4] =	ssyncset.done $0x0  }
0xc3: {  	s17 =	rddreg [dreg:$0x5];
	[sflag:s4] =	ssyncadd.s32 $0xFFFFD800  }
0xc4: {  	[hbm4b:s17+s2] =	stream.linear.scatter [tilespmem:s5], [sflag:$0x2], $0xC800, $0x38;
	[tilespmem:$0x19640] =	vst v63  }
0xc5: {  	_ =	swait.ge [sflag:s7], $0xC800  }
0xc6: {  	[sflag:s7] =	ssyncset.done $0x0  }
0xc7: {  	[sflag:s7] =	ssyncadd.s32 $0xFFFF3800  }
0xc8: {  	[tilespmem:s8], [sflag:$0x1] =	stream.indirect.gather [hbm4b:s3+s6], $0x80, s23, s6, $0xb8;
	[tilespmem:$0x19640] =	vst v63  }
0xc9: {  	_ = 	snop  }
0xca: {  	[tilespmem:s13], [sflag:$0x1] =	stream.indirect.gather [hbm4b:s3+s6], $0x80, s24, s6, $0xb8;
	[tilespmem:$0x19640] =	vst v63  }
0xcb: {  	_ = 	snop  }
0xcc: {  	[tilespmem:s14], [sflag:$0x1] =	stream.indirect.gather [hbm4b:s3+s6], $0x80, s25, s6, $0xb8;
	[tilespmem:$0x19640] =	vst v63  }
0xcd: {  	_ = 	snop  }
0xce: {  	[tilespmem:s15], [sflag:$0x1] =	stream.indirect.gather [hbm4b:s3+s6], $0x80, s26, s6, $0xb8;
	[tilespmem:$0x19640] =	vst v63  }
0xcf: {  	_ = 	snop  }
0xd0: {  	[tilespmem:s16], [sflag:$0x1] =	stream.indirect.gather [hbm4b:s3+s6], $0x80, s28, s6, $0xb8;
	[tilespmem:$0x19640] =	vst v63  }
0xd1: {  	_ =	swait.ge [sflag:s4], $0x2800  }
0xd2: {  	[sflag:s4] =	ssyncset.done $0x0  }
0xd3: {  	[sflag:s4] =	ssyncadd.s32 $0xFFFFD800  }
0xd4: {  	_ =	swait.ge [sflag:s4], $0x2800  }
0xd5: {  	[sflag:s4] =	ssyncset.done $0x0  }
0xd6: {  	[sflag:s4] =	ssyncadd.s32 $0xFFFFD800  }
0xd7: {  	_ =	swait.ge [sflag:s4], $0x2800  }
0xd8: {  	[sflag:s4] =	ssyncset.done $0x0  }
0xd9: {  	[sflag:s4] =	ssyncadd.s32 $0xFFFFD800  }
0xda: {  	_ =	swait.ge [sflag:s4], $0x2800  }
0xdb: {  	[sflag:s4] =	ssyncset.done $0x0  }
0xdc: {  	[sflag:s4] =	ssyncadd.s32 $0xFFFFD800  }
0xdd: {  	_ =	swait.ge [sflag:s4], $0x2800  }
0xde: {  	[sflag:s4] =	ssyncset.done $0x0  }
0xdf: {  	s17 =	rddreg [dreg:$0x6];
	[sflag:s4] =	ssyncadd.s32 $0xFFFFD800  }
0xe0: {  	[hbm4b:s17+s2] =	stream.linear.scatter [tilespmem:s8], [sflag:$0x2], $0xC800, $0x38;
	[tilespmem:$0x19640] =	vst v63  }
0xe1: {  	_ =	swait.ge [sflag:s7], $0xC800  }
0xe2: {  	[sflag:s7] =	ssyncset.done $0x0  }
0xe3: {  	[sflag:s7] =	ssyncadd.s32 $0xFFFF3800  }
0xe4: {  	[tilespmem:s5], [sflag:$0x1] =	stream.indirect.gather [hbm4b:s3+s6], $0x80, s18, s6, $0xb8;
	[tilespmem:$0x19640] =	vst v63  }
0xe5: {  	_ = 	snop  }
0xe6: {  	[tilespmem:s9], [sflag:$0x1] =	stream.indirect.gather [hbm4b:s3+s6], $0x80, s19, s6, $0xb8;
	[tilespmem:$0x19640] =	vst v63  }
0xe7: {  	_ = 	snop  }
0xe8: {  	[tilespmem:s10], [sflag:$0x1] =	stream.indirect.gather [hbm4b:s3+s6], $0x80, s20, s6, $0xb8;
	[tilespmem:$0x19640] =	vst v63  }
0xe9: {  	_ = 	snop  }
0xea: {  	[tilespmem:s11], [sflag:$0x1] =	stream.indirect.gather [hbm4b:s3+s6], $0x80, s21, s6, $0xb8;
	[tilespmem:$0x19640] =	vst v63  }
0xeb: {  	_ = 	snop  }
0xec: {  	[tilespmem:s12], [sflag:$0x1] =	stream.indirect.gather [hbm4b:s3+s6], $0x80, s22, s6, $0xb8;
	[tilespmem:$0x19640] =	vst v63  }
0xed: {  	_ =	swait.ge [sflag:s4], $0x2800  }
0xee: {  	[sflag:s4] =	ssyncset.done $0x0  }
0xef: {  	[sflag:s4] =	ssyncadd.s32 $0xFFFFD800  }
0xf0: {  	_ =	swait.ge [sflag:s4], $0x2800  }
0xf1: {  	[sflag:s4] =	ssyncset.done $0x0  }
0xf2: {  	[sflag:s4] =	ssyncadd.s32 $0xFFFFD800  }
0xf3: {  	_ =	swait.ge [sflag:s4], $0x2800  }
0xf4: {  	[sflag:s4] =	ssyncset.done $0x0  }
0xf5: {  	[sflag:s4] =	ssyncadd.s32 $0xFFFFD800  }
0xf6: {  	_ =	swait.ge [sflag:s4], $0x2800  }
0xf7: {  	[sflag:s4] =	ssyncset.done $0x0  }
0xf8: {  	[sflag:s4] =	ssyncadd.s32 $0xFFFFD800  }
0xf9: {  	_ =	swait.ge [sflag:s4], $0x2800  }
0xfa: {  	[sflag:s4] =	ssyncset.done $0x0  }
0xfb: {  	p1 =	sne.s32 s1, $0x1;
	s17 =	rddreg [dreg:$0x7];
	[sflag:s4] =	ssyncadd.s32 $0xFFFFD800  }
0xfc: {  	[hbm4b:s17+s2] =	stream.linear.scatter [tilespmem:s5], [sflag:$0x2], $0xC800, $0x38;
	[tilespmem:$0x19640] =	vst v63  }
.Ltmp2:
0xfd: {  	_ =	swait.ge [sflag:s7], $0xC800;
	(pc) =	sbr.rel @p1 .LBB2_4-.Ltmp2, $4  }
0xfe: {  	[sflag:s7] =	ssyncset.done $0x0  }
0xff: {  	[sflag:s7] =	ssyncadd.s32 $0xFFFF3800  }
0x100: {  	_ =	swait.ge [sflag:s7], $0xC800  }
0x101: {  	s1 =	sadd.s32 $0xFFFFFFFF, s1;
	s0 =	rddreg [dreg:$0x3];
	[sflag:s7] =	ssyncset.done $0x0  }
0x102: {  	s22 =	simm.s32 $0x2D0  }
0x103: {  	s30 =	simm.s32 $0x280;
	s29 =	simm.s32 $0x230;
	s28 =	simm.s32 $0x460  }
0x104: {  	s26 =	simm.s32 $0x410;
	s25 =	simm.s32 $0x3C0;
	s24 =	simm.s32 $0x370  }
0x105: {  	s23 =	simm.s32 $0x320;
	s21 =	simm.s32 $0x5A0;
	s20 =	simm.s32 $0x550  }
0x106: {  	s19 =	simm.s32 $0x500;
	s18 =	simm.s32 $0x4B0;
	s17 =	stileid.u32  }
.LBB2_6:
0x107: {  	[sflag:s7] =	ssyncadd.s32 @p0 $0xFFFF3800  }
0x108: {  	[tilespmem:s2], [sflag:$0x3] =	stream.linear.gather [hbm4b:s0+s2], $0x640, $0x38;
	[tilespmem:$0x19640] =	vst v63  }
0x109: {  	_ =	swait.ge [sflag:s31], $0x640  }
0x10a: {  	[sflag:s31] =	ssyncset.done $0x0  }
0x10b: {  	[sflag:s31] =	ssyncadd.s32 $0xFFFFF9C0  }
0x10c: {  	[tilespmem:s8], [sflag:$0x1] =	stream.indirect.gather [hbm4b:s3+s6], $0x80, s2, s6, $0xb8;
	[tilespmem:$0x19640] =	vst v63  }
0x10d: {  	_ = 	snop  }
0x10e: {  	[tilespmem:s13], [sflag:$0x1] =	stream.indirect.gather [hbm4b:s3+s6], $0x80, s6, s6, $0xb8;
	[tilespmem:$0x19640] =	vst v63  }
0x10f: {  	s31 =	rddreg [dreg:$0x8]  }
0x110: {  	[tilespmem:s14], [sflag:$0x1] =	stream.indirect.gather [hbm4b:s3+s6], $0x80, s31, s6, $0xb8;
	[tilespmem:$0x19640] =	vst v63  }
0x111: {  	s1 =	rddreg [dreg:$0x9]  }
0x112: {  	[tilespmem:s15], [sflag:$0x1] =	stream.indirect.gather [hbm4b:s3+s6], $0x80, s1, s6, $0xb8;
	[tilespmem:$0x19640] =	vst v63  }
0x113: {  	s31 =	rddreg [dreg:$0xa]  }
0x114: {  	[tilespmem:s16], [sflag:$0x1] =	stream.indirect.gather [hbm4b:s3+s6], $0x80, s31, s6, $0xb8;
	[tilespmem:$0x19640] =	vst v63  }
0x115: {  	_ =	swait.ge [sflag:s4], $0x2800  }
0x116: {  	[sflag:s4] =	ssyncset.done $0x0  }
0x117: {  	[sflag:s4] =	ssyncadd.s32 $0xFFFFD800  }
0x118: {  	_ =	swait.ge [sflag:s4], $0x2800  }
0x119: {  	[sflag:s4] =	ssyncset.done $0x0  }
0x11a: {  	[sflag:s4] =	ssyncadd.s32 $0xFFFFD800  }
0x11b: {  	_ =	swait.ge [sflag:s4], $0x2800  }
0x11c: {  	[sflag:s4] =	ssyncset.done $0x0  }
0x11d: {  	[sflag:s4] =	ssyncadd.s32 $0xFFFFD800  }
0x11e: {  	_ =	swait.ge [sflag:s4], $0x2800  }
0x11f: {  	[sflag:s4] =	ssyncset.done $0x0  }
0x120: {  	[sflag:s4] =	ssyncadd.s32 $0xFFFFD800  }
0x121: {  	_ =	swait.ge [sflag:s4], $0x2800  }
0x122: {  	[sflag:s4] =	ssyncset.done $0x0  }
0x123: {  	s31 =	rddreg [dreg:$0x4];
	[sflag:s4] =	ssyncadd.s32 $0xFFFFD800  }
0x124: {  	[hbm4b:s31+s2] =	stream.linear.scatter [tilespmem:s8], [sflag:$0x2], $0xC800, $0x38;
	[tilespmem:$0x19640] =	vst v63  }
0x125: {  	s1 =	rddreg [dreg:$0xb]  }
0x126: {  	[tilespmem:s5], [sflag:$0x1] =	stream.indirect.gather [hbm4b:s3+s6], $0x80, s1, s6, $0xb8;
	[tilespmem:$0x19640] =	vst v63  }
0x127: {  	s31 =	rddreg [dreg:$0xc]  }
0x128: {  	[tilespmem:s9], [sflag:$0x1] =	stream.indirect.gather [hbm4b:s3+s6], $0x80, s31, s6, $0xb8;
	[tilespmem:$0x19640] =	vst v63  }
0x129: {  	_ = 	snop  }
0x12a: {  	[tilespmem:s10], [sflag:$0x1] =	stream.indirect.gather [hbm4b:s3+s6], $0x80, s29, s6, $0xb8;
	[tilespmem:$0x19640] =	vst v63  }
0x12b: {  	_ = 	snop  }
0x12c: {  	[tilespmem:s11], [sflag:$0x1] =	stream.indirect.gather [hbm4b:s3+s6], $0x80, s30, s6, $0xb8;
	[tilespmem:$0x19640] =	vst v63  }
0x12d: {  	_ = 	snop  }
0x12e: {  	[tilespmem:s12], [sflag:$0x1] =	stream.indirect.gather [hbm4b:s3+s6], $0x80, s22, s6, $0xb8;
	[tilespmem:$0x19640] =	vst v63  }
0x12f: {  	_ =	swait.ge [sflag:s4], $0x2800  }
0x130: {  	[sflag:s4] =	ssyncset.done $0x0  }
0x131: {  	[sflag:s4] =	ssyncadd.s32 $0xFFFFD800  }
0x132: {  	_ =	swait.ge [sflag:s4], $0x2800  }
0x133: {  	[sflag:s4] =	ssyncset.done $0x0  }
0x134: {  	[sflag:s4] =	ssyncadd.s32 $0xFFFFD800  }
0x135: {  	_ =	swait.ge [sflag:s4], $0x2800  }
0x136: {  	[sflag:s4] =	ssyncset.done $0x0  }
0x137: {  	[sflag:s4] =	ssyncadd.s32 $0xFFFFD800  }
0x138: {  	_ =	swait.ge [sflag:s4], $0x2800  }
0x139: {  	[sflag:s4] =	ssyncset.done $0x0  }
0x13a: {  	[sflag:s4] =	ssyncadd.s32 $0xFFFFD800  }
0x13b: {  	_ =	swait.ge [sflag:s4], $0x2800  }
0x13c: {  	[sflag:s4] =	ssyncset.done $0x0  }
0x13d: {  	s22 =	rddreg [dreg:$0x5];
	[sflag:s4] =	ssyncadd.s32 $0xFFFFD800  }
0x13e: {  	[hbm4b:s22+s2] =	stream.linear.scatter [tilespmem:s5], [sflag:$0x2], $0xC800, $0x38;
	[tilespmem:$0x19640] =	vst v63  }
0x13f: {  	_ =	swait.ge [sflag:s7], $0xC800  }
0x140: {  	[sflag:s7] =	ssyncset.done $0x0  }
0x141: {  	[sflag:s7] =	ssyncadd.s32 $0xFFFF3800  }
0x142: {  	[tilespmem:s8], [sflag:$0x1] =	stream.indirect.gather [hbm4b:s3+s6], $0x80, s23, s6, $0xb8;
	[tilespmem:$0x19640] =	vst v63  }
0x143: {  	_ = 	snop  }
0x144: {  	[tilespmem:s13], [sflag:$0x1] =	stream.indirect.gather [hbm4b:s3+s6], $0x80, s24, s6, $0xb8;
	[tilespmem:$0x19640] =	vst v63  }
0x145: {  	_ = 	snop  }
0x146: {  	[tilespmem:s14], [sflag:$0x1] =	stream.indirect.gather [hbm4b:s3+s6], $0x80, s25, s6, $0xb8;
	[tilespmem:$0x19640] =	vst v63  }
0x147: {  	_ = 	snop  }
0x148: {  	[tilespmem:s15], [sflag:$0x1] =	stream.indirect.gather [hbm4b:s3+s6], $0x80, s26, s6, $0xb8;
	[tilespmem:$0x19640] =	vst v63  }
0x149: {  	_ = 	snop  }
0x14a: {  	[tilespmem:s16], [sflag:$0x1] =	stream.indirect.gather [hbm4b:s3+s6], $0x80, s28, s6, $0xb8;
	[tilespmem:$0x19640] =	vst v63  }
0x14b: {  	_ =	swait.ge [sflag:s4], $0x2800  }
0x14c: {  	[sflag:s4] =	ssyncset.done $0x0  }
0x14d: {  	[sflag:s4] =	ssyncadd.s32 $0xFFFFD800  }
0x14e: {  	_ =	swait.ge [sflag:s4], $0x2800  }
0x14f: {  	[sflag:s4] =	ssyncset.done $0x0  }
0x150: {  	[sflag:s4] =	ssyncadd.s32 $0xFFFFD800  }
0x151: {  	_ =	swait.ge [sflag:s4], $0x2800  }
0x152: {  	[sflag:s4] =	ssyncset.done $0x0  }
0x153: {  	[sflag:s4] =	ssyncadd.s32 $0xFFFFD800  }
0x154: {  	_ =	swait.ge [sflag:s4], $0x2800  }
0x155: {  	[sflag:s4] =	ssyncset.done $0x0  }
0x156: {  	[sflag:s4] =	ssyncadd.s32 $0xFFFFD800  }
0x157: {  	_ =	swait.ge [sflag:s4], $0x2800  }
0x158: {  	[sflag:s4] =	ssyncset.done $0x0  }
0x159: {  	s29 =	rddreg [dreg:$0x6];
	[sflag:s4] =	ssyncadd.s32 $0xFFFFD800  }
0x15a: {  	[hbm4b:s29+s2] =	stream.linear.scatter [tilespmem:s8], [sflag:$0x2], $0xC800, $0x38;
	[tilespmem:$0x19640] =	vst v63  }
0x15b: {  	_ =	swait.ge [sflag:s7], $0xC800  }
0x15c: {  	[sflag:s7] =	ssyncset.done $0x0  }
0x15d: {  	[sflag:s7] =	ssyncadd.s32 $0xFFFF3800  }
0x15e: {  	[tilespmem:s5], [sflag:$0x1] =	stream.indirect.gather [hbm4b:s3+s6], $0x80, s18, s6, $0xb8;
	[tilespmem:$0x19640] =	vst v63  }
0x15f: {  	_ = 	snop  }
0x160: {  	[tilespmem:s9], [sflag:$0x1] =	stream.indirect.gather [hbm4b:s3+s6], $0x80, s19, s6, $0xb8;
	[tilespmem:$0x19640] =	vst v63  }
0x161: {  	_ = 	snop  }
0x162: {  	[tilespmem:s10], [sflag:$0x1] =	stream.indirect.gather [hbm4b:s3+s6], $0x80, s20, s6, $0xb8;
	[tilespmem:$0x19640] =	vst v63  }
0x163: {  	_ = 	snop  }
0x164: {  	[tilespmem:s11], [sflag:$0x1] =	stream.indirect.gather [hbm4b:s3+s6], $0x80, s21, s6, $0xb8;
	[tilespmem:$0x19640] =	vst v63  }
0x165: {  	s30 =	simm.s32 $0x5F0  }
0x166: {  	[tilespmem:s12], [sflag:$0x1] =	stream.indirect.gather [hbm4b:s3+s6], $0x80, s30, s6, $0xb8;
	[tilespmem:$0x19640] =	vst v63  }
0x167: {  	_ =	swait.ge [sflag:s4], $0x2800  }
0x168: {  	[sflag:s4] =	ssyncset.done $0x0  }
0x169: {  	[sflag:s4] =	ssyncadd.s32 $0xFFFFD800  }
0x16a: {  	_ =	swait.ge [sflag:s4], $0x2800  }
0x16b: {  	[sflag:s4] =	ssyncset.done $0x0  }
0x16c: {  	[sflag:s4] =	ssyncadd.s32 $0xFFFFD800  }
0x16d: {  	_ =	swait.ge [sflag:s4], $0x2800  }
0x16e: {  	[sflag:s4] =	ssyncset.done $0x0  }
0x16f: {  	[sflag:s4] =	ssyncadd.s32 $0xFFFFD800  }
0x170: {  	_ =	swait.ge [sflag:s4], $0x2800  }
0x171: {  	[sflag:s4] =	ssyncset.done $0x0  }
0x172: {  	[sflag:s4] =	ssyncadd.s32 $0xFFFFD800  }
0x173: {  	_ =	swait.ge [sflag:s4], $0x2800  }
0x174: {  	[sflag:s4] =	ssyncset.done $0x0  }
0x175: {  	s31 =	rddreg [dreg:$0x7];
	[sflag:s4] =	ssyncadd.s32 $0xFFFFD800  }
0x176: {  	[hbm4b:s31+s2] =	stream.linear.scatter [tilespmem:s5], [sflag:$0x2], $0xC800, $0x38;
	[tilespmem:$0x19640] =	vst v63  }
0x177: {  	_ =	swait.ge [sflag:s7], $0xC800  }
0x178: {  	[sflag:s7] =	ssyncset.done $0x0  }
0x179: {  	[sflag:s7] =	ssyncadd.s32 $0xFFFF3800  }
0x17a: {  	_ =	swait.ge [sflag:s7], $0xC800  }
0x17b: {  	[sflag:s7] =	ssyncset.done $0x0  }
0x17c: {  	[sflag:s7] =	ssyncadd.s32 $0xFFFF3800  }
0x17d: {  	_ =	sfence.sel $0x180000  }
0x17e: {  	[bflag:$0x0] =	sbarrier.arrive $0xFFFF  }
0x17f: {  	_ =	strace $0x90000047  }
0x180: {  	[bflag:$0x2] =	sbarrier.arrive $0xFFFF  }
0x181: {  	p0 =	sne.s32 s17, $0x0;
	s0 =	rddreg [dreg:$0x2]  }
0x182: {  	s0 =	sadd.s32 @!p0 $0x100000, s0  }
0x183: {  	[sflag:s0] =	ssyncadd.tile.s32 @!p0 $0x1;
	_ =	shalt  }
.LBB2_1:
.Ltmp3:
0x184: {  	(pc) =	sbr.rel .LBB2_6-.Ltmp3, $4  }
0x185: {  	s22 =	simm.s32 $0x2D0;
	s30 =	simm.s32 $0x280;
	s29 =	simm.s32 $0x230  }
0x186: {  	s28 =	simm.s32 $0x460;
	s26 =	simm.s32 $0x410;
	s25 =	simm.s32 $0x3C0  }
0x187: {  	s24 =	simm.s32 $0x370;
	s23 =	simm.s32 $0x320;
	s21 =	simm.s32 $0x5A0  }
0x188: {  	s20 =	simm.s32 $0x550;
	s19 =	simm.s32 $0x500;
	s18 =	simm.s32 $0x4B0  }
.LBB2_3:
.Ltmp4:
0x189: {  	s22 =	simm.s32 $0x2D0;
	(pc) =	sbr.rel .LBB2_6-.Ltmp4, $4  }
0x18a: {  	s30 =	simm.s32 $0x280;
	s29 =	simm.s32 $0x230;
	s28 =	simm.s32 $0x460  }
0x18b: {  	s26 =	simm.s32 $0x410;
	s25 =	simm.s32 $0x3C0;
	s24 =	simm.s32 $0x370  }
0x18c: {  	s23 =	simm.s32 $0x320;
	s21 =	simm.s32 $0x5A0;
	s20 =	simm.s32 $0x550  }
0x18d: {  	s19 =	simm.s32 $0x500;
	s18 =	simm.s32 $0x4B0;
	s17 =	stileid.u32  }
.Lfunc_end2:
_tile_overlayer_lowered:
.L_overlay_start_2:
0x18e: {  	(tag) =	ssettag $0x2  }
0x18f: {  	s0 =	rddreg [dreg:$0x0];
	s2 =	stileid.u32  }
0x190: {  	s1 =	rddreg [dreg:$0x1];
	p0 =	sne.s32 s2, $0x0  }
0x191: {  	s3 =	rddreg [dreg:$0x2];
	[bflag:$0x3] =	sbarrier.arrive $0xFFFF;
	s2 =	simm.s32 @!p0 $0x1C03  }
0x192: {  	[timem:s3], [sflag:s2] =	dma.local @!p0 [hbm:s0], s1  }
0x193: {  	s0 =	simm.s32 @!p0 $0x3  }
0x194: {  	_ =	swait.ge @!p0 [sflag:s0], s1  }
0x195: {  	s1 =	ssub.s32 @!p0 $0x0, s1;
	[sflag:s0] =	ssyncset.done @!p0 $0x0  }
0x196: {  	[sflag:s0] =	ssyncadd.s32 @!p0 s1  }
0x197: {  	[bflag:$0x3] =	sbarrier.arrive $0xFFFF  }
0x198: {  	_ =	shalt  }

</sc_bundles>
